<compile_context>
chip_gen: v7x
topology: tpu7x:2x2x1
jax: 0.10.2.dev20260603
libtpu: 0.0.44.dev20260713+nightly
codegen_flags: <defaults>
</compile_context>

<pallas_src>
import functools

import jax
import jax.numpy as jnp
from jax import lax
from jax.experimental import pallas as pl
from jax.experimental.pallas import tpu as pltpu
from jax.experimental.pallas import tpu_sc as plsc

_INFO = plsc.get_sparse_core_info()
_NC, _NS = _INFO.num_cores, _INFO.num_subcores
_NW = _NC * _NS

_CHAINS = (5, 3)


def _make_gather(n_rows: int, row_len: int, chunk: int, row_off: int):
    assert n_rows % (_NW * chunk) == 0
    rows_per_w = n_rows // _NW
    n_chunks = rows_per_w // chunk
    assert n_chunks >= 2
    mesh = plsc.VectorSubcoreMesh(core_axis_name="c", subcore_axis_name="s")

    @functools.partial(
        pl.kernel,
        mesh=mesh,
        out_type=jax.ShapeDtypeStruct((n_rows, row_len), jnp.float32),
        scratch_types=[
            pltpu.VMEM((chunk,), jnp.int32),
            pltpu.VMEM((chunk,), jnp.int32),
            pltpu.VMEM((chunk, row_len), jnp.float32),
            pltpu.VMEM((chunk, row_len), jnp.float32),
            pltpu.SemaphoreType.DMA,
            pltpu.SemaphoreType.DMA,
            pltpu.SemaphoreType.DMA,
            pltpu.SemaphoreType.DMA,
        ],
    )
    def gather_kernel(x_hbm, idx_hbm, out_hbm,
                      idx0, idx1, rows0, rows1, gsem0, gsem1, wsem0, wsem1):
        wid = lax.axis_index("s") * _NC + lax.axis_index("c")
        base = wid * rows_per_w
        idxs, rows = [idx0, idx1], [rows0, rows1]
        gsems, wsems = [gsem0, gsem1], [wsem0, wsem1]

        pltpu.sync_copy(idx_hbm.at[pl.ds(row_off + base, chunk)], idxs[0])
        gathers = [pltpu.async_copy(x_hbm.at[idxs[0]], rows[0], gsems[0]), None]
        writes = [None, None]
        for i in range(n_chunks):
            cur, nxt = i % 2, (i + 1) % 2
            if i + 1 < n_chunks:
                off = row_off + base + (i + 1) * chunk
                pltpu.sync_copy(idx_hbm.at[pl.ds(off, chunk)], idxs[nxt])
                if writes[nxt] is not None:
                    writes[nxt].wait()
                gathers[nxt] = pltpu.async_copy(
                    x_hbm.at[idxs[nxt]], rows[nxt], gsems[nxt])
            gathers[cur].wait()
            writes[cur] = pltpu.async_copy(
                rows[cur], out_hbm.at[pl.ds(base + i * chunk, chunk)],
                wsems[cur])
        writes[0].wait()
        writes[1].wait()

    return gather_kernel


def _mm_body(x_ref, w_ref, o_ref):
    x = x_ref[0, 0].astype(jnp.bfloat16)
    w = w_ref[0].astype(jnp.bfloat16)
    o_ref[0, 0] = jnp.dot(x, w, preferred_element_type=jnp.float32)


def _mm_acc_body(x_ref, w_ref, y_prev_ref, o_ref):
    del y_prev_ref
    _mm_body(x_ref, w_ref, o_ref)


def _matmul_chain(xg, w, e_off, y_prev):
    ec, b, k, i = xg.shape
    e, _, j = w.shape
    y_shape = jax.ShapeDtypeStruct((b, e, k, j), jnp.float32)
    x_spec = pl.BlockSpec((1, 1, k, i), lambda ei, bi: (ei, bi, 0, 0))
    w_spec = pl.BlockSpec((1, i, j), lambda ei, bi: (ei + e_off, 0, 0))
    o_spec = pl.BlockSpec((1, 1, k, j), lambda ei, bi: (bi, ei + e_off, 0, 0))
    if y_prev is None:
        return pl.pallas_call(
            _mm_body,
            grid=(ec, b),
            in_specs=[x_spec, w_spec],
            out_specs=o_spec,
            out_shape=y_shape,
        )(xg, w)
    return pl.pallas_call(
        _mm_acc_body,
        grid=(ec, b),
        in_specs=[x_spec, w_spec,
                  pl.BlockSpec(memory_space=pltpu.MemorySpace.HBM)],
        out_specs=o_spec,
        out_shape=y_shape,
        input_output_aliases={2: 0},
    )(xg, w, y_prev)


def kernel(X, ind, W):
    B, T, I = X.shape
    _, E, K = ind.shape
    n_rows = B * E * K
    flat_idx = (
        ind.transpose(1, 0, 2)
        + (jnp.arange(B, dtype=jnp.int32) * T)[None, :, None]
    ).reshape(n_rows)
    x2d = X.reshape(B * T, I)

    y = None
    e_off = 0
    for e_cnt in _CHAINS:
        rows = e_cnt * B * K
        rows_per_w = rows // _NW
        chunk = next(c for c in range(min(48, rows_per_w // 2), 7, -1)
                     if c % 8 == 0 and rows_per_w % c == 0)
        gather = _make_gather(rows, I, chunk, e_off * B * K)
        xg = gather(x2d, flat_idx)
        xg = xg.reshape(e_cnt, B, K, I)
        y = _matmul_chain(xg, W, e_off, y)
        e_off += e_cnt
    return y

# --- scband reference (transcript-rebuilt; emitter-appended) ---
"""Pipeline reference for scband-torch-reshaped-gather-einsum-24902220382296 (READ-ONLY COPY).

The authoritative reference and input builder live on the scoring server;
editing this copy changes nothing except your own understanding.
"""

import jax, jax.numpy as jnp
import numpy as np

B, T, I = 2, 2048, 1024
E, K, J = 8, 512, 512


def setup_inputs(seed: int = 0) -> dict:
    key = jax.random.key(seed)
    k1, k2, k3 = jax.random.split(key, 3)
    X = jax.random.normal(k1, (B, T, I), dtype=jnp.float32)
    ind = jax.random.randint(k2, (B, E, K), 0, T, dtype=jnp.int32)
    W = jax.random.uniform(k3, (E, I, J), dtype=jnp.float32)
    return {"X": X, "ind": ind, "W": W}


def reference(X, ind, W):
    B_, T_, I_ = X.shape
    _, E_, K_ = ind.shape
    idx = ind.reshape(B_, E_ * K_)
    idx = jnp.broadcast_to(idx[:, :, None], (B_, E_ * K_, I_))
    X_gathered = jnp.take_along_axis(X, idx, axis=1).reshape(B_, E_, K_, I_)
    Y = jnp.einsum('beki,eij->bekj', X_gathered, W)
    return Y

if __name__ == "__main__":
    import jax
    _d = setup_inputs()
    print(jax.jit(kernel)(*tuple(_d.values())))

</pallas_src>

<mosaic_0001>
#map = affine_map<(d0, d1) -> (0, 0)>
#map1 = affine_map<(d0, d1) -> (0)>
module attributes {stable_mosaic.version = 14 : i64} {
  func.func @gather_kernel(%arg0: i32, %arg1: i32, %arg2: memref<4096x1024xf32, #tpu.memory_space<hbm>>, %arg3: memref<8192xi32, #tpu.memory_space<hbm>>, %arg4: memref<3072x1024xf32, #tpu.memory_space<hbm>>, %arg5: memref<48xi32, #tpu.memory_space<vmem>>, %arg6: memref<48xi32, #tpu.memory_space<vmem>>, %arg7: memref<48x1024xf32, #tpu.memory_space<vmem>>, %arg8: memref<48x1024xf32, #tpu.memory_space<vmem>>, %arg9: memref<!tpu.dma_semaphore, #tpu.memory_space<semaphore_mem>>, %arg10: memref<!tpu.dma_semaphore, #tpu.memory_space<semaphore_mem>>, %arg11: memref<!tpu.dma_semaphore, #tpu.memory_space<semaphore_mem>>, %arg12: memref<!tpu.dma_semaphore, #tpu.memory_space<semaphore_mem>>) attributes {dimension_semantics = [#tpu.dimension_semantics<core_parallel>, #tpu.dimension_semantics<subcore_parallel>], iteration_bounds = array<i64: 2, 16>, scalar_prefetch = 0 : i64, scratch_operands = 8 : i64, tpu.core_type = #tpu.core_type<sc_vector_subcore>, window_params = [{transform_indices = #map}, {transform_indices = #map1}, {transform_indices = #map}]} {
    %mul3A = arith.constant 2 : i32
    %mul3A_0 = arith.muli %arg1, %mul3A : i32
    %add3A = arith.addi %mul3A_0, %arg0 : i32
    %mul3A_1 = arith.constant 96 : i32
    %mul3A_2 = arith.muli %add3A, %mul3A_1 : i32
    %add3A_3 = arith.constant 5120 : i32
    %add3A_4 = arith.addi %add3A_3, %mul3A_2 : i32
    "tpu.region"() ({
      %run_scoped3A = tpu.sem_alloc : memref<!tpu.dma_semaphore, #tpu.memory_space<semaphore_mem>>
      %dma_start3A_39 = tpu.memref_slice %arg3[%add3A_4] : memref<8192xi32, #tpu.memory_space<hbm>> -> memref<48xi32, #tpu.memory_space<hbm>>
      %dma_start3A_40 = tpu.memref_slice %arg3[%add3A_4] : memref<8192xi32, #tpu.memory_space<hbm>> -> memref<48xi32, #tpu.memory_space<hbm>>
      tpu.enqueue_dma source(%dma_start3A_40 : memref<48xi32, #tpu.memory_space<hbm>>) target(%arg5 : memref<48xi32, #tpu.memory_space<vmem>>) target_semaphore(%run_scoped3A : memref<!tpu.dma_semaphore, #tpu.memory_space<semaphore_mem>>)
      %dma_wait3A_41 = tpu.memref_slice %arg3[%add3A_4] : memref<8192xi32, #tpu.memory_space<hbm>> -> memref<48xi32, #tpu.memory_space<hbm>>
      %dma_wait3A_42 = tpu.memref_slice %arg3[%add3A_4] : memref<8192xi32, #tpu.memory_space<hbm>> -> memref<48xi32, #tpu.memory_space<hbm>>
      tpu.wait_dma2 semaphore(%run_scoped3A : memref<!tpu.dma_semaphore, #tpu.memory_space<semaphore_mem>>) src(%dma_wait3A_42 : memref<48xi32, #tpu.memory_space<hbm>>) dst(%arg5 : memref<48xi32, #tpu.memory_space<vmem>>)
      tpu.yield
    }) : () -> ()
    %dma_start3A = arith.constant 0 : i32
    %dma_start3A_5 = arith.constant 0 : i32
    %dma_start3A_6 = tpu.memref_slice %arg2[%dma_start3A, %dma_start3A_5] : memref<4096x1024xf32, #tpu.memory_space<hbm>> -> memref<4096x1024xf32, #tpu.memory_space<hbm>>
    tpu.enqueue_indirect_dma source(%dma_start3A_6 : memref<4096x1024xf32, #tpu.memory_space<hbm>>) target(%arg7 : memref<48x1024xf32, #tpu.memory_space<vmem>>) offsets(%arg5 : memref<48xi32, #tpu.memory_space<vmem>>) semaphore(%arg9 : memref<!tpu.dma_semaphore, #tpu.memory_space<semaphore_mem>>)
    %add3A_7 = arith.constant 5120 : i32
    %add3A_8 = arith.addi %add3A_7, %mul3A_2 : i32
    %add3A_9 = arith.constant 48 : i32
    %add3A_10 = arith.addi %add3A_8, %add3A_9 : i32
    "tpu.region"() ({
      %run_scoped3A = tpu.sem_alloc : memref<!tpu.dma_semaphore, #tpu.memory_space<semaphore_mem>>
      %dma_start3A_39 = tpu.memref_slice %arg3[%add3A_10] : memref<8192xi32, #tpu.memory_space<hbm>> -> memref<48xi32, #tpu.memory_space<hbm>>
      %dma_start3A_40 = tpu.memref_slice %arg3[%add3A_10] : memref<8192xi32, #tpu.memory_space<hbm>> -> memref<48xi32, #tpu.memory_space<hbm>>
      tpu.enqueue_dma source(%dma_start3A_40 : memref<48xi32, #tpu.memory_space<hbm>>) target(%arg6 : memref<48xi32, #tpu.memory_space<vmem>>) target_semaphore(%run_scoped3A : memref<!tpu.dma_semaphore, #tpu.memory_space<semaphore_mem>>)
      %dma_wait3A_41 = tpu.memref_slice %arg3[%add3A_10] : memref<8192xi32, #tpu.memory_space<hbm>> -> memref<48xi32, #tpu.memory_space<hbm>>
      %dma_wait3A_42 = tpu.memref_slice %arg3[%add3A_10] : memref<8192xi32, #tpu.memory_space<hbm>> -> memref<48xi32, #tpu.memory_space<hbm>>
      tpu.wait_dma2 semaphore(%run_scoped3A : memref<!tpu.dma_semaphore, #tpu.memory_space<semaphore_mem>>) src(%dma_wait3A_42 : memref<48xi32, #tpu.memory_space<hbm>>) dst(%arg6 : memref<48xi32, #tpu.memory_space<vmem>>)
      tpu.yield
    }) : () -> ()
    %dma_start3A_11 = arith.constant 0 : i32
    %dma_start3A_12 = arith.constant 0 : i32
    %dma_start3A_13 = tpu.memref_slice %arg2[%dma_start3A_11, %dma_start3A_12] : memref<4096x1024xf32, #tpu.memory_space<hbm>> -> memref<4096x1024xf32, #tpu.memory_space<hbm>>
    tpu.enqueue_indirect_dma source(%dma_start3A_13 : memref<4096x1024xf32, #tpu.memory_space<hbm>>) target(%arg8 : memref<48x1024xf32, #tpu.memory_space<vmem>>) offsets(%arg6 : memref<48xi32, #tpu.memory_space<vmem>>) semaphore(%arg10 : memref<!tpu.dma_semaphore, #tpu.memory_space<semaphore_mem>>)
    %dma_wait3A = arith.constant 0 : i32
    %dma_wait3A_14 = arith.constant 0 : i32
    %dma_wait3A_15 = tpu.memref_slice %arg2[%dma_wait3A, %dma_wait3A_14] : memref<4096x1024xf32, #tpu.memory_space<hbm>> -> memref<4096x1024xf32, #tpu.memory_space<hbm>>
    tpu.wait_indirect_dma semaphore(%arg9 : memref<!tpu.dma_semaphore, #tpu.memory_space<semaphore_mem>>) src(%dma_wait3A_15 : memref<4096x1024xf32, #tpu.memory_space<hbm>>) dst(%arg7 : memref<48x1024xf32, #tpu.memory_space<vmem>>)
    %add3A_16 = arith.constant 0 : i32
    %add3A_17 = arith.addi %mul3A_2, %add3A_16 : i32
    %dma_start3A_18 = arith.constant 0 : i32
    %dma_start3A_19 = tpu.memref_slice %arg4[%add3A_17, %dma_start3A_18] : memref<3072x1024xf32, #tpu.memory_space<hbm>> -> memref<48x1024xf32, #tpu.memory_space<hbm>>
    %dma_start3A_20 = arith.constant 0 : i32
    %dma_start3A_21 = tpu.memref_slice %arg4[%add3A_17, %dma_start3A_20] : memref<3072x1024xf32, #tpu.memory_space<hbm>> -> memref<48x1024xf32, #tpu.memory_space<hbm>>
    tpu.enqueue_dma source(%arg7 : memref<48x1024xf32, #tpu.memory_space<vmem>>) target(%dma_start3A_21 : memref<48x1024xf32, #tpu.memory_space<hbm>>) target_semaphore(%arg11 : memref<!tpu.dma_semaphore, #tpu.memory_space<semaphore_mem>>)
    %dma_wait3A_22 = arith.constant 0 : i32
    %dma_wait3A_23 = arith.constant 0 : i32
    %dma_wait3A_24 = tpu.memref_slice %arg2[%dma_wait3A_22, %dma_wait3A_23] : memref<4096x1024xf32, #tpu.memory_space<hbm>> -> memref<4096x1024xf32, #tpu.memory_space<hbm>>
    tpu.wait_indirect_dma semaphore(%arg10 : memref<!tpu.dma_semaphore, #tpu.memory_space<semaphore_mem>>) src(%dma_wait3A_24 : memref<4096x1024xf32, #tpu.memory_space<hbm>>) dst(%arg8 : memref<48x1024xf32, #tpu.memory_space<vmem>>)
    %add3A_25 = arith.constant 48 : i32
    %add3A_26 = arith.addi %mul3A_2, %add3A_25 : i32
    %dma_start3A_27 = arith.constant 0 : i32
    %dma_start3A_28 = tpu.memref_slice %arg4[%add3A_26, %dma_start3A_27] : memref<3072x1024xf32, #tpu.memory_space<hbm>> -> memref<48x1024xf32, #tpu.memory_space<hbm>>
    %dma_start3A_29 = arith.constant 0 : i32
    %dma_start3A_30 = tpu.memref_slice %arg4[%add3A_26, %dma_start3A_29] : memref<3072x1024xf32, #tpu.memory_space<hbm>> -> memref<48x1024xf32, #tpu.memory_space<hbm>>
    tpu.enqueue_dma source(%arg8 : memref<48x1024xf32, #tpu.memory_space<vmem>>) target(%dma_start3A_30 : memref<48x1024xf32, #tpu.memory_space<hbm>>) target_semaphore(%arg12 : memref<!tpu.dma_semaphore, #tpu.memory_space<semaphore_mem>>)
    %dma_wait3A_31 = arith.constant 0 : i32
    %dma_wait3A_32 = tpu.memref_slice %arg4[%add3A_17, %dma_wait3A_31] : memref<3072x1024xf32, #tpu.memory_space<hbm>> -> memref<48x1024xf32, #tpu.memory_space<hbm>>
    %dma_wait3A_33 = arith.constant 0 : i32
    %dma_wait3A_34 = tpu.memref_slice %arg4[%add3A_17, %dma_wait3A_33] : memref<3072x1024xf32, #tpu.memory_space<hbm>> -> memref<48x1024xf32, #tpu.memory_space<hbm>>
    tpu.wait_dma2 semaphore(%arg11 : memref<!tpu.dma_semaphore, #tpu.memory_space<semaphore_mem>>) src(%arg7 : memref<48x1024xf32, #tpu.memory_space<vmem>>) dst(%dma_wait3A_34 : memref<48x1024xf32, #tpu.memory_space<hbm>>)
    %dma_wait3A_35 = arith.constant 0 : i32
    %dma_wait3A_36 = tpu.memref_slice %arg4[%add3A_26, %dma_wait3A_35] : memref<3072x1024xf32, #tpu.memory_space<hbm>> -> memref<48x1024xf32, #tpu.memory_space<hbm>>
    %dma_wait3A_37 = arith.constant 0 : i32
    %dma_wait3A_38 = tpu.memref_slice %arg4[%add3A_26, %dma_wait3A_37] : memref<3072x1024xf32, #tpu.memory_space<hbm>> -> memref<48x1024xf32, #tpu.memory_space<hbm>>
    tpu.wait_dma2 semaphore(%arg12 : memref<!tpu.dma_semaphore, #tpu.memory_space<semaphore_mem>>) src(%arg8 : memref<48x1024xf32, #tpu.memory_space<vmem>>) dst(%dma_wait3A_38 : memref<48x1024xf32, #tpu.memory_space<hbm>>)
    return
  }
}

#map = affine_map<(d0, d1) -> (0, 0)>
#map1 = affine_map<(d0, d1) -> (0)>
module attributes {stable_mosaic.version = 14 : i64} {
  func.func @gather_kernel(%arg0: i32, %arg1: i32, %arg2: memref<4096x1024xf32, #tpu.memory_space<hbm>>, %arg3: memref<8192xi32, #tpu.memory_space<hbm>>, %arg4: memref<5120x1024xf32, #tpu.memory_space<hbm>>, %arg5: memref<40xi32, #tpu.memory_space<vmem>>, %arg6: memref<40xi32, #tpu.memory_space<vmem>>, %arg7: memref<40x1024xf32, #tpu.memory_space<vmem>>, %arg8: memref<40x1024xf32, #tpu.memory_space<vmem>>, %arg9: memref<!tpu.dma_semaphore, #tpu.memory_space<semaphore_mem>>, %arg10: memref<!tpu.dma_semaphore, #tpu.memory_space<semaphore_mem>>, %arg11: memref<!tpu.dma_semaphore, #tpu.memory_space<semaphore_mem>>, %arg12: memref<!tpu.dma_semaphore, #tpu.memory_space<semaphore_mem>>) attributes {dimension_semantics = [#tpu.dimension_semantics<core_parallel>, #tpu.dimension_semantics<subcore_parallel>], iteration_bounds = array<i64: 2, 16>, scalar_prefetch = 0 : i64, scratch_operands = 8 : i64, tpu.core_type = #tpu.core_type<sc_vector_subcore>, window_params = [{transform_indices = #map}, {transform_indices = #map1}, {transform_indices = #map}]} {
    %mul3A = arith.constant 2 : i32
    %mul3A_0 = arith.muli %arg1, %mul3A : i32
    %add3A = arith.addi %mul3A_0, %arg0 : i32
    %mul3A_1 = arith.constant 160 : i32
    %mul3A_2 = arith.muli %add3A, %mul3A_1 : i32
    %add3A_3 = arith.constant 0 : i32
    %add3A_4 = arith.addi %add3A_3, %mul3A_2 : i32
    "tpu.region"() ({
      %run_scoped3A = tpu.sem_alloc : memref<!tpu.dma_semaphore, #tpu.memory_space<semaphore_mem>>
      %dma_start3A_79 = tpu.memref_slice %arg3[%add3A_4] : memref<8192xi32, #tpu.memory_space<hbm>> -> memref<40xi32, #tpu.memory_space<hbm>>
      %dma_start3A_80 = tpu.memref_slice %arg3[%add3A_4] : memref<8192xi32, #tpu.memory_space<hbm>> -> memref<40xi32, #tpu.memory_space<hbm>>
      tpu.enqueue_dma source(%dma_start3A_80 : memref<40xi32, #tpu.memory_space<hbm>>) target(%arg5 : memref<40xi32, #tpu.memory_space<vmem>>) target_semaphore(%run_scoped3A : memref<!tpu.dma_semaphore, #tpu.memory_space<semaphore_mem>>)
      %dma_wait3A_81 = tpu.memref_slice %arg3[%add3A_4] : memref<8192xi32, #tpu.memory_space<hbm>> -> memref<40xi32, #tpu.memory_space<hbm>>
      %dma_wait3A_82 = tpu.memref_slice %arg3[%add3A_4] : memref<8192xi32, #tpu.memory_space<hbm>> -> memref<40xi32, #tpu.memory_space<hbm>>
      tpu.wait_dma2 semaphore(%run_scoped3A : memref<!tpu.dma_semaphore, #tpu.memory_space<semaphore_mem>>) src(%dma_wait3A_82 : memref<40xi32, #tpu.memory_space<hbm>>) dst(%arg5 : memref<40xi32, #tpu.memory_space<vmem>>)
      tpu.yield
    }) : () -> ()
    %dma_start3A = arith.constant 0 : i32
    %dma_start3A_5 = arith.constant 0 : i32
    %dma_start3A_6 = tpu.memref_slice %arg2[%dma_start3A, %dma_start3A_5] : memref<4096x1024xf32, #tpu.memory_space<hbm>> -> memref<4096x1024xf32, #tpu.memory_space<hbm>>
    tpu.enqueue_indirect_dma source(%dma_start3A_6 : memref<4096x1024xf32, #tpu.memory_space<hbm>>) target(%arg7 : memref<40x1024xf32, #tpu.memory_space<vmem>>) offsets(%arg5 : memref<40xi32, #tpu.memory_space<vmem>>) semaphore(%arg9 : memref<!tpu.dma_semaphore, #tpu.memory_space<semaphore_mem>>)
    %add3A_7 = arith.constant 0 : i32
    %add3A_8 = arith.addi %add3A_7, %mul3A_2 : i32
    %add3A_9 = arith.constant 40 : i32
    %add3A_10 = arith.addi %add3A_8, %add3A_9 : i32
    "tpu.region"() ({
      %run_scoped3A = tpu.sem_alloc : memref<!tpu.dma_semaphore, #tpu.memory_space<semaphore_mem>>
      %dma_start3A_79 = tpu.memref_slice %arg3[%add3A_10] : memref<8192xi32, #tpu.memory_space<hbm>> -> memref<40xi32, #tpu.memory_space<hbm>>
      %dma_start3A_80 = tpu.memref_slice %arg3[%add3A_10] : memref<8192xi32, #tpu.memory_space<hbm>> -> memref<40xi32, #tpu.memory_space<hbm>>
      tpu.enqueue_dma source(%dma_start3A_80 : memref<40xi32, #tpu.memory_space<hbm>>) target(%arg6 : memref<40xi32, #tpu.memory_space<vmem>>) target_semaphore(%run_scoped3A : memref<!tpu.dma_semaphore, #tpu.memory_space<semaphore_mem>>)
      %dma_wait3A_81 = tpu.memref_slice %arg3[%add3A_10] : memref<8192xi32, #tpu.memory_space<hbm>> -> memref<40xi32, #tpu.memory_space<hbm>>
      %dma_wait3A_82 = tpu.memref_slice %arg3[%add3A_10] : memref<8192xi32, #tpu.memory_space<hbm>> -> memref<40xi32, #tpu.memory_space<hbm>>
      tpu.wait_dma2 semaphore(%run_scoped3A : memref<!tpu.dma_semaphore, #tpu.memory_space<semaphore_mem>>) src(%dma_wait3A_82 : memref<40xi32, #tpu.memory_space<hbm>>) dst(%arg6 : memref<40xi32, #tpu.memory_space<vmem>>)
      tpu.yield
    }) : () -> ()
    %dma_start3A_11 = arith.constant 0 : i32
    %dma_start3A_12 = arith.constant 0 : i32
    %dma_start3A_13 = tpu.memref_slice %arg2[%dma_start3A_11, %dma_start3A_12] : memref<4096x1024xf32, #tpu.memory_space<hbm>> -> memref<4096x1024xf32, #tpu.memory_space<hbm>>
    tpu.enqueue_indirect_dma source(%dma_start3A_13 : memref<4096x1024xf32, #tpu.memory_space<hbm>>) target(%arg8 : memref<40x1024xf32, #tpu.memory_space<vmem>>) offsets(%arg6 : memref<40xi32, #tpu.memory_space<vmem>>) semaphore(%arg10 : memref<!tpu.dma_semaphore, #tpu.memory_space<semaphore_mem>>)
    %dma_wait3A = arith.constant 0 : i32
    %dma_wait3A_14 = arith.constant 0 : i32
    %dma_wait3A_15 = tpu.memref_slice %arg2[%dma_wait3A, %dma_wait3A_14] : memref<4096x1024xf32, #tpu.memory_space<hbm>> -> memref<4096x1024xf32, #tpu.memory_space<hbm>>
    tpu.wait_indirect_dma semaphore(%arg9 : memref<!tpu.dma_semaphore, #tpu.memory_space<semaphore_mem>>) src(%dma_wait3A_15 : memref<4096x1024xf32, #tpu.memory_space<hbm>>) dst(%arg7 : memref<40x1024xf32, #tpu.memory_space<vmem>>)
    %add3A_16 = arith.constant 0 : i32
    %add3A_17 = arith.addi %mul3A_2, %add3A_16 : i32
    %dma_start3A_18 = arith.constant 0 : i32
    %dma_start3A_19 = tpu.memref_slice %arg4[%add3A_17, %dma_start3A_18] : memref<5120x1024xf32, #tpu.memory_space<hbm>> -> memref<40x1024xf32, #tpu.memory_space<hbm>>
    %dma_start3A_20 = arith.constant 0 : i32
    %dma_start3A_21 = tpu.memref_slice %arg4[%add3A_17, %dma_start3A_20] : memref<5120x1024xf32, #tpu.memory_space<hbm>> -> memref<40x1024xf32, #tpu.memory_space<hbm>>
    tpu.enqueue_dma source(%arg7 : memref<40x1024xf32, #tpu.memory_space<vmem>>) target(%dma_start3A_21 : memref<40x1024xf32, #tpu.memory_space<hbm>>) target_semaphore(%arg11 : memref<!tpu.dma_semaphore, #tpu.memory_space<semaphore_mem>>)
    %add3A_22 = arith.constant 0 : i32
    %add3A_23 = arith.addi %add3A_22, %mul3A_2 : i32
    %add3A_24 = arith.constant 80 : i32
    %add3A_25 = arith.addi %add3A_23, %add3A_24 : i32
    "tpu.region"() ({
      %run_scoped3A = tpu.sem_alloc : memref<!tpu.dma_semaphore, #tpu.memory_space<semaphore_mem>>
      %dma_start3A_79 = tpu.memref_slice %arg3[%add3A_25] : memref<8192xi32, #tpu.memory_space<hbm>> -> memref<40xi32, #tpu.memory_space<hbm>>
      %dma_start3A_80 = tpu.memref_slice %arg3[%add3A_25] : memref<8192xi32, #tpu.memory_space<hbm>> -> memref<40xi32, #tpu.memory_space<hbm>>
      tpu.enqueue_dma source(%dma_start3A_80 : memref<40xi32, #tpu.memory_space<hbm>>) target(%arg5 : memref<40xi32, #tpu.memory_space<vmem>>) target_semaphore(%run_scoped3A : memref<!tpu.dma_semaphore, #tpu.memory_space<semaphore_mem>>)
      %dma_wait3A_81 = tpu.memref_slice %arg3[%add3A_25] : memref<8192xi32, #tpu.memory_space<hbm>> -> memref<40xi32, #tpu.memory_space<hbm>>
      %dma_wait3A_82 = tpu.memref_slice %arg3[%add3A_25] : memref<8192xi32, #tpu.memory_space<hbm>> -> memref<40xi32, #tpu.memory_space<hbm>>
      tpu.wait_dma2 semaphore(%run_scoped3A : memref<!tpu.dma_semaphore, #tpu.memory_space<semaphore_mem>>) src(%dma_wait3A_82 : memref<40xi32, #tpu.memory_space<hbm>>) dst(%arg5 : memref<40xi32, #tpu.memory_space<vmem>>)
      tpu.yield
    }) : () -> ()
    %dma_wait3A_26 = arith.constant 0 : i32
    %dma_wait3A_27 = tpu.memref_slice %arg4[%add3A_17, %dma_wait3A_26] : memref<5120x1024xf32, #tpu.memory_space<hbm>> -> memref<40x1024xf32, #tpu.memory_space<hbm>>
    %dma_wait3A_28 = arith.constant 0 : i32
    %dma_wait3A_29 = tpu.memref_slice %arg4[%add3A_17, %dma_wait3A_28] : memref<5120x1024xf32, #tpu.memory_space<hbm>> -> memref<40x1024xf32, #tpu.memory_space<hbm>>
    tpu.wait_dma2 semaphore(%arg11 : memref<!tpu.dma_semaphore, #tpu.memory_space<semaphore_mem>>) src(%arg7 : memref<40x1024xf32, #tpu.memory_space<vmem>>) dst(%dma_wait3A_29 : memref<40x1024xf32, #tpu.memory_space<hbm>>)
    %dma_start3A_30 = arith.constant 0 : i32
    %dma_start3A_31 = arith.constant 0 : i32
    %dma_start3A_32 = tpu.memref_slice %arg2[%dma_start3A_30, %dma_start3A_31] : memref<4096x1024xf32, #tpu.memory_space<hbm>> -> memref<4096x1024xf32, #tpu.memory_space<hbm>>
    tpu.enqueue_indirect_dma source(%dma_start3A_32 : memref<4096x1024xf32, #tpu.memory_space<hbm>>) target(%arg7 : memref<40x1024xf32, #tpu.memory_space<vmem>>) offsets(%arg5 : memref<40xi32, #tpu.memory_space<vmem>>) semaphore(%arg9 : memref<!tpu.dma_semaphore, #tpu.memory_space<semaphore_mem>>)
    %dma_wait3A_33 = arith.constant 0 : i32
    %dma_wait3A_34 = arith.constant 0 : i32
    %dma_wait3A_35 = tpu.memref_slice %arg2[%dma_wait3A_33, %dma_wait3A_34] : memref<4096x1024xf32, #tpu.memory_space<hbm>> -> memref<4096x1024xf32, #tpu.memory_space<hbm>>
    tpu.wait_indirect_dma semaphore(%arg10 : memref<!tpu.dma_semaphore, #tpu.memory_space<semaphore_mem>>) src(%dma_wait3A_35 : memref<4096x1024xf32, #tpu.memory_space<hbm>>) dst(%arg8 : memref<40x1024xf32, #tpu.memory_space<vmem>>)
    %add3A_36 = arith.constant 40 : i32
    %add3A_37 = arith.addi %mul3A_2, %add3A_36 : i32
    %dma_start3A_38 = arith.constant 0 : i32
    %dma_start3A_39 = tpu.memref_slice %arg4[%add3A_37, %dma_start3A_38] : memref<5120x1024xf32, #tpu.memory_space<hbm>> -> memref<40x1024xf32, #tpu.memory_space<hbm>>
    %dma_start3A_40 = arith.constant 0 : i32
    %dma_start3A_41 = tpu.memref_slice %arg4[%add3A_37, %dma_start3A_40] : memref<5120x1024xf32, #tpu.memory_space<hbm>> -> memref<40x1024xf32, #tpu.memory_space<hbm>>
    tpu.enqueue_dma source(%arg8 : memref<40x1024xf32, #tpu.memory_space<vmem>>) target(%dma_start3A_41 : memref<40x1024xf32, #tpu.memory_space<hbm>>) target_semaphore(%arg12 : memref<!tpu.dma_semaphore, #tpu.memory_space<semaphore_mem>>)
    %add3A_42 = arith.constant 0 : i32
    %add3A_43 = arith.addi %add3A_42, %mul3A_2 : i32
    %add3A_44 = arith.constant 120 : i32
    %add3A_45 = arith.addi %add3A_43, %add3A_44 : i32
    "tpu.region"() ({
      %run_scoped3A = tpu.sem_alloc : memref<!tpu.dma_semaphore, #tpu.memory_space<semaphore_mem>>
      %dma_start3A_79 = tpu.memref_slice %arg3[%add3A_45] : memref<8192xi32, #tpu.memory_space<hbm>> -> memref<40xi32, #tpu.memory_space<hbm>>
      %dma_start3A_80 = tpu.memref_slice %arg3[%add3A_45] : memref<8192xi32, #tpu.memory_space<hbm>> -> memref<40xi32, #tpu.memory_space<hbm>>
      tpu.enqueue_dma source(%dma_start3A_80 : memref<40xi32, #tpu.memory_space<hbm>>) target(%arg6 : memref<40xi32, #tpu.memory_space<vmem>>) target_semaphore(%run_scoped3A : memref<!tpu.dma_semaphore, #tpu.memory_space<semaphore_mem>>)
      %dma_wait3A_81 = tpu.memref_slice %arg3[%add3A_45] : memref<8192xi32, #tpu.memory_space<hbm>> -> memref<40xi32, #tpu.memory_space<hbm>>
      %dma_wait3A_82 = tpu.memref_slice %arg3[%add3A_45] : memref<8192xi32, #tpu.memory_space<hbm>> -> memref<40xi32, #tpu.memory_space<hbm>>
      tpu.wait_dma2 semaphore(%run_scoped3A : memref<!tpu.dma_semaphore, #tpu.memory_space<semaphore_mem>>) src(%dma_wait3A_82 : memref<40xi32, #tpu.memory_space<hbm>>) dst(%arg6 : memref<40xi32, #tpu.memory_space<vmem>>)
      tpu.yield
    }) : () -> ()
    %dma_wait3A_46 = arith.constant 0 : i32
    %dma_wait3A_47 = tpu.memref_slice %arg4[%add3A_37, %dma_wait3A_46] : memref<5120x1024xf32, #tpu.memory_space<hbm>> -> memref<40x1024xf32, #tpu.memory_space<hbm>>
    %dma_wait3A_48 = arith.constant 0 : i32
    %dma_wait3A_49 = tpu.memref_slice %arg4[%add3A_37, %dma_wait3A_48] : memref<5120x1024xf32, #tpu.memory_space<hbm>> -> memref<40x1024xf32, #tpu.memory_space<hbm>>
    tpu.wait_dma2 semaphore(%arg12 : memref<!tpu.dma_semaphore, #tpu.memory_space<semaphore_mem>>) src(%arg8 : memref<40x1024xf32, #tpu.memory_space<vmem>>) dst(%dma_wait3A_49 : memref<40x1024xf32, #tpu.memory_space<hbm>>)
    %dma_start3A_50 = arith.constant 0 : i32
    %dma_start3A_51 = arith.constant 0 : i32
    %dma_start3A_52 = tpu.memref_slice %arg2[%dma_start3A_50, %dma_start3A_51] : memref<4096x1024xf32, #tpu.memory_space<hbm>> -> memref<4096x1024xf32, #tpu.memory_space<hbm>>
    tpu.enqueue_indirect_dma source(%dma_start3A_52 : memref<4096x1024xf32, #tpu.memory_space<hbm>>) target(%arg8 : memref<40x1024xf32, #tpu.memory_space<vmem>>) offsets(%arg6 : memref<40xi32, #tpu.memory_space<vmem>>) semaphore(%arg10 : memref<!tpu.dma_semaphore, #tpu.memory_space<semaphore_mem>>)
    %dma_wait3A_53 = arith.constant 0 : i32
    %dma_wait3A_54 = arith.constant 0 : i32
    %dma_wait3A_55 = tpu.memref_slice %arg2[%dma_wait3A_53, %dma_wait3A_54] : memref<4096x1024xf32, #tpu.memory_space<hbm>> -> memref<4096x1024xf32, #tpu.memory_space<hbm>>
    tpu.wait_indirect_dma semaphore(%arg9 : memref<!tpu.dma_semaphore, #tpu.memory_space<semaphore_mem>>) src(%dma_wait3A_55 : memref<4096x1024xf32, #tpu.memory_space<hbm>>) dst(%arg7 : memref<40x1024xf32, #tpu.memory_space<vmem>>)
    %add3A_56 = arith.constant 80 : i32
    %add3A_57 = arith.addi %mul3A_2, %add3A_56 : i32
    %dma_start3A_58 = arith.constant 0 : i32
    %dma_start3A_59 = tpu.memref_slice %arg4[%add3A_57, %dma_start3A_58] : memref<5120x1024xf32, #tpu.memory_space<hbm>> -> memref<40x1024xf32, #tpu.memory_space<hbm>>
    %dma_start3A_60 = arith.constant 0 : i32
    %dma_start3A_61 = tpu.memref_slice %arg4[%add3A_57, %dma_start3A_60] : memref<5120x1024xf32, #tpu.memory_space<hbm>> -> memref<40x1024xf32, #tpu.memory_space<hbm>>
    tpu.enqueue_dma source(%arg7 : memref<40x1024xf32, #tpu.memory_space<vmem>>) target(%dma_start3A_61 : memref<40x1024xf32, #tpu.memory_space<hbm>>) target_semaphore(%arg11 : memref<!tpu.dma_semaphore, #tpu.memory_space<semaphore_mem>>)
    %dma_wait3A_62 = arith.constant 0 : i32
    %dma_wait3A_63 = arith.constant 0 : i32
    %dma_wait3A_64 = tpu.memref_slice %arg2[%dma_wait3A_62, %dma_wait3A_63] : memref<4096x1024xf32, #tpu.memory_space<hbm>> -> memref<4096x1024xf32, #tpu.memory_space<hbm>>
    tpu.wait_indirect_dma semaphore(%arg10 : memref<!tpu.dma_semaphore, #tpu.memory_space<semaphore_mem>>) src(%dma_wait3A_64 : memref<4096x1024xf32, #tpu.memory_space<hbm>>) dst(%arg8 : memref<40x1024xf32, #tpu.memory_space<vmem>>)
    %add3A_65 = arith.constant 120 : i32
    %add3A_66 = arith.addi %mul3A_2, %add3A_65 : i32
    %dma_start3A_67 = arith.constant 0 : i32
    %dma_start3A_68 = tpu.memref_slice %arg4[%add3A_66, %dma_start3A_67] : memref<5120x1024xf32, #tpu.memory_space<hbm>> -> memref<40x1024xf32, #tpu.memory_space<hbm>>
    %dma_start3A_69 = arith.constant 0 : i32
    %dma_start3A_70 = tpu.memref_slice %arg4[%add3A_66, %dma_start3A_69] : memref<5120x1024xf32, #tpu.memory_space<hbm>> -> memref<40x1024xf32, #tpu.memory_space<hbm>>
    tpu.enqueue_dma source(%arg8 : memref<40x1024xf32, #tpu.memory_space<vmem>>) target(%dma_start3A_70 : memref<40x1024xf32, #tpu.memory_space<hbm>>) target_semaphore(%arg12 : memref<!tpu.dma_semaphore, #tpu.memory_space<semaphore_mem>>)
    %dma_wait3A_71 = arith.constant 0 : i32
    %dma_wait3A_72 = tpu.memref_slice %arg4[%add3A_57, %dma_wait3A_71] : memref<5120x1024xf32, #tpu.memory_space<hbm>> -> memref<40x1024xf32, #tpu.memory_space<hbm>>
    %dma_wait3A_73 = arith.constant 0 : i32
    %dma_wait3A_74 = tpu.memref_slice %arg4[%add3A_57, %dma_wait3A_73] : memref<5120x1024xf32, #tpu.memory_space<hbm>> -> memref<40x1024xf32, #tpu.memory_space<hbm>>
    tpu.wait_dma2 semaphore(%arg11 : memref<!tpu.dma_semaphore, #tpu.memory_space<semaphore_mem>>) src(%arg7 : memref<40x1024xf32, #tpu.memory_space<vmem>>) dst(%dma_wait3A_74 : memref<40x1024xf32, #tpu.memory_space<hbm>>)
    %dma_wait3A_75 = arith.constant 0 : i32
    %dma_wait3A_76 = tpu.memref_slice %arg4[%add3A_66, %dma_wait3A_75] : memref<5120x1024xf32, #tpu.memory_space<hbm>> -> memref<40x1024xf32, #tpu.memory_space<hbm>>
    %dma_wait3A_77 = arith.constant 0 : i32
    %dma_wait3A_78 = tpu.memref_slice %arg4[%add3A_66, %dma_wait3A_77] : memref<5120x1024xf32, #tpu.memory_space<hbm>> -> memref<40x1024xf32, #tpu.memory_space<hbm>>
    tpu.wait_dma2 semaphore(%arg12 : memref<!tpu.dma_semaphore, #tpu.memory_space<semaphore_mem>>) src(%arg8 : memref<40x1024xf32, #tpu.memory_space<vmem>>) dst(%dma_wait3A_78 : memref<40x1024xf32, #tpu.memory_space<hbm>>)
    return
  }
}

module attributes {stable_mosaic.version = 14 : i64} {
  func.func @_mm_body(%arg0: i32, %arg1: i32, %arg2: memref<1x1x512x1024xf32, #tpu.memory_space<vmem>>, %arg3: memref<1x1024x512xf32, #tpu.memory_space<vmem>>, %arg4: memref<1x1x512x512xf32, #tpu.memory_space<vmem>>) attributes {dimension_semantics = [#tpu.dimension_semantics<arbitrary>, #tpu.dimension_semantics<arbitrary>], iteration_bounds = array<i64: 5, 2>, scalar_prefetch = 0 : i64, scratch_operands = 0 : i64, tpu.core_type = #tpu.core_type<tc>, window_params = [{transform_indices = @transform_0, window_bounds = array<i64: 1, 1, 512, 1024>}, {transform_indices = @transform_1, window_bounds = array<i64: 1, 1024, 512>}, {transform_indices = @transform_2, window_bounds = array<i64: 1, 1, 512, 512>}]} {
    %get3A = arith.constant 0 : index
    %get3A_0 = arith.constant 0 : index
    %get3A_1 = arith.constant 0 : index
    %get3A_2 = arith.constant 0 : index
    %get3A_3 = vector.load %arg2[%get3A, %get3A_0, %get3A_1, %get3A_2] : memref<1x1x512x1024xf32, #tpu.memory_space<vmem>>, vector<1x1x512x1024xf32>
    %get3A_4 = vector.shape_cast %get3A_3 : vector<1x1x512x1024xf32> to vector<512x1024xf32>
    %convert_element_type3A = arith.truncf %get3A_4 : vector<512x1024xf32> to vector<512x1024xbf16>
    %get3A_5 = arith.constant 0 : index
    %get3A_6 = arith.constant 0 : index
    %get3A_7 = arith.constant 0 : index
    %get3A_8 = vector.load %arg3[%get3A_5, %get3A_6, %get3A_7] : memref<1x1024x512xf32, #tpu.memory_space<vmem>>, vector<1x1024x512xf32>
    %get3A_9 = vector.shape_cast %get3A_8 : vector<1x1024x512xf32> to vector<1024x512xf32>
    %convert_element_type3A_10 = arith.truncf %get3A_9 : vector<1024x512xf32> to vector<1024x512xbf16>
    %dot_general3A = arith.constant dense<0.000000e+00> : vector<512x512xf32>
    %dot_general3A_11 = tpu.matmul %convert_element_type3A, %convert_element_type3A_10, %dot_general3A {dimension_numbers = #tpu.dot_dimension_numbers<[1], [0], [0], [1], [0, 0, 1, 1], [], []>, transpose_lhs_hint = false} : vector<512x1024xbf16>, vector<1024x512xbf16>, vector<512x512xf32> -> vector<512x512xf32>
    %swap3A = arith.constant 0 : index
    %swap3A_12 = arith.constant 0 : index
    %swap3A_13 = arith.constant 0 : index
    %swap3A_14 = arith.constant 0 : index
    %swap3A_15 = vector.load %arg4[%swap3A, %swap3A_12, %swap3A_13, %swap3A_14] : memref<1x1x512x512xf32, #tpu.memory_space<vmem>>, vector<1x1x512x512xf32>
    %swap3A_16 = vector.shape_cast %swap3A_15 : vector<1x1x512x512xf32> to vector<512x512xf32>
    %swap3A_17 = vector.shape_cast %dot_general3A_11 : vector<512x512xf32> to vector<1x1x512x512xf32>
    tpu.vector_store %arg4[%swap3A, %swap3A_12, %swap3A_13, %swap3A_14], %swap3A_17 {strides = array<i32>} : memref<1x1x512x512xf32, #tpu.memory_space<vmem>>, vector<1x1x512x512xf32>,
    return
  }
  func.func @transform_0(%arg0: i32, %arg1: i32) -> (i32, i32, i32, i32) {
    %c0_i32 = arith.constant 0 : i32
    %c0_i32_0 = arith.constant 0 : i32
    %c0_i32_1 = arith.constant 0 : i32
    return %arg0, %arg1, %c0_i32, %c0_i32_0 : i32, i32, i32, i32
  }
  func.func @transform_1(%arg0: i32, %arg1: i32) -> (i32, i32, i32) {
    %add3A = arith.constant 0 : i32
    %add3A_0 = arith.addi %arg0, %add3A : i32
    %c0_i32 = arith.constant 0 : i32
    %c0_i32_1 = arith.constant 0 : i32
    %c0_i32_2 = arith.constant 0 : i32
    return %add3A_0, %c0_i32, %c0_i32_1 : i32, i32, i32
  }
  func.func @transform_2(%arg0: i32, %arg1: i32) -> (i32, i32, i32, i32) {
    %add3A = arith.constant 0 : i32
    %add3A_0 = arith.addi %arg0, %add3A : i32
    %c0_i32 = arith.constant 0 : i32
    %c0_i32_1 = arith.constant 0 : i32
    %c0_i32_2 = arith.constant 0 : i32
    return %arg1, %add3A_0, %c0_i32, %c0_i32_1 : i32, i32, i32, i32
  }
}

module attributes {stable_mosaic.version = 14 : i64} {
  func.func @_mm_acc_body(%arg0: i32, %arg1: i32, %arg2: memref<1x1x512x1024xf32, #tpu.memory_space<vmem>>, %arg3: memref<1x1024x512xf32, #tpu.memory_space<vmem>>, %arg4: memref<2x8x512x512xf32, #tpu.memory_space<hbm>>, %arg5: memref<1x1x512x512xf32, #tpu.memory_space<vmem>>) attributes {dimension_semantics = [#tpu.dimension_semantics<arbitrary>, #tpu.dimension_semantics<arbitrary>], iteration_bounds = array<i64: 3, 2>, scalar_prefetch = 0 : i64, scratch_operands = 0 : i64, tpu.core_type = #tpu.core_type<tc>, window_params = [{transform_indices = @transform_0, window_bounds = array<i64: 1, 1, 512, 1024>}, {transform_indices = @transform_1, window_bounds = array<i64: 1, 1024, 512>}, {}, {transform_indices = @transform_3, window_bounds = array<i64: 1, 1, 512, 512>}]} {
    %get3A = arith.constant 0 : index
    %get3A_0 = arith.constant 0 : index
    %get3A_1 = arith.constant 0 : index
    %get3A_2 = arith.constant 0 : index
    %get3A_3 = vector.load %arg2[%get3A, %get3A_0, %get3A_1, %get3A_2] : memref<1x1x512x1024xf32, #tpu.memory_space<vmem>>, vector<1x1x512x1024xf32>
    %get3A_4 = vector.shape_cast %get3A_3 : vector<1x1x512x1024xf32> to vector<512x1024xf32>
    %convert_element_type3A = arith.truncf %get3A_4 : vector<512x1024xf32> to vector<512x1024xbf16>
    %get3A_5 = arith.constant 0 : index
    %get3A_6 = arith.constant 0 : index
    %get3A_7 = arith.constant 0 : index
    %get3A_8 = vector.load %arg3[%get3A_5, %get3A_6, %get3A_7] : memref<1x1024x512xf32, #tpu.memory_space<vmem>>, vector<1x1024x512xf32>
    %get3A_9 = vector.shape_cast %get3A_8 : vector<1x1024x512xf32> to vector<1024x512xf32>
    %convert_element_type3A_10 = arith.truncf %get3A_9 : vector<1024x512xf32> to vector<1024x512xbf16>
    %dot_general3A = arith.constant dense<0.000000e+00> : vector<512x512xf32>
    %dot_general3A_11 = tpu.matmul %convert_element_type3A, %convert_element_type3A_10, %dot_general3A {dimension_numbers = #tpu.dot_dimension_numbers<[1], [0], [0], [1], [0, 0, 1, 1], [], []>, transpose_lhs_hint = false} : vector<512x1024xbf16>, vector<1024x512xbf16>, vector<512x512xf32> -> vector<512x512xf32>
    %swap3A = arith.constant 0 : index
    %swap3A_12 = arith.constant 0 : index
    %swap3A_13 = arith.constant 0 : index
    %swap3A_14 = arith.constant 0 : index
    %swap3A_15 = vector.load %arg5[%swap3A, %swap3A_12, %swap3A_13, %swap3A_14] : memref<1x1x512x512xf32, #tpu.memory_space<vmem>>, vector<1x1x512x512xf32>
    %swap3A_16 = vector.shape_cast %swap3A_15 : vector<1x1x512x512xf32> to vector<512x512xf32>
    %swap3A_17 = vector.shape_cast %dot_general3A_11 : vector<512x512xf32> to vector<1x1x512x512xf32>
    tpu.vector_store %arg5[%swap3A, %swap3A_12, %swap3A_13, %swap3A_14], %swap3A_17 {strides = array<i32>} : memref<1x1x512x512xf32, #tpu.memory_space<vmem>>, vector<1x1x512x512xf32>,
    return
  }
  func.func @transform_0(%arg0: i32, %arg1: i32) -> (i32, i32, i32, i32) {
    %c0_i32 = arith.constant 0 : i32
    %c0_i32_0 = arith.constant 0 : i32
    %c0_i32_1 = arith.constant 0 : i32
    return %arg0, %arg1, %c0_i32, %c0_i32_0 : i32, i32, i32, i32
  }
  func.func @transform_1(%arg0: i32, %arg1: i32) -> (i32, i32, i32) {
    %add3A = arith.constant 5 : i32
    %add3A_0 = arith.addi %arg0, %add3A : i32
    %c0_i32 = arith.constant 0 : i32
    %c0_i32_1 = arith.constant 0 : i32
    %c0_i32_2 = arith.constant 0 : i32
    return %add3A_0, %c0_i32, %c0_i32_1 : i32, i32, i32
  }
  func.func @transform_3(%arg0: i32, %arg1: i32) -> (i32, i32, i32, i32) {
    %add3A = arith.constant 5 : i32
    %add3A_0 = arith.addi %arg0, %add3A : i32
    %c0_i32 = arith.constant 0 : i32
    %c0_i32_1 = arith.constant 0 : i32
    %c0_i32_2 = arith.constant 0 : i32
    return %arg1, %add3A_0, %c0_i32, %c0_i32_1 : i32, i32, i32, i32
  }
}

</mosaic_0001>

<sc_bundles>
// kernel: kernel.6.cloned.1.call-start
scs
__scs_entry_jumppad:
0x0: {  	(pc) =	sbr.rel $0x88, $3  }
0x1: {  	(tag) =	ssettag $0x0;
	lr =	simm.s32 $0x1  }
0x2: {  	[smem:$0x3F9E] =	sst lr;
	_ =	strace $0xD0000000  }
0x3: {  	_ = 	snop  }
0x4: {  	_ = 	snop  }
0x5: {  	_ = 	snop  }
0x6: {  	_ = 	snop  }
0x7: {  	_ = 	snop  }
__scs_overlays_trampoline_lowered:
0x8: {  	[smem:$0x3FAD] =	sst s0  }
0x9: {  	[smem:$0x3FAE] =	sst s1  }
0xa: {  	[smem:$0x3FAF] =	sst s2  }
0xb: {  	[smem:$0x3FB0] =	sst s3  }
0xc: {  	[smem:$0x3FB1] =	sst s4  }
0xd: {  	[smem:$0x3FB2] =	sst s5  }
0xe: {  	[smem:$0x3FB3] =	sst s6  }
0xf: {  	[smem:$0x3FB4] =	sst s7  }
0x10: {  	[smem:$0x3FB5] =	sst s8  }
0x11: {  	[smem:$0x3FB6] =	sst s9;
	s0 =	simm.s32 @!p0 $0x0  }
0x12: {  	s1 =	sld [smem:$0x3F9C];
	s0 =	simm.s32 @p0 $0x1  }
0x13: {  	[smem:$0x3FB7] =	sst s0;
	s0 =	simm.s32 @!p1 $0x0  }
0x14: {  	s2 =	sld [smem:$0x3F9B];
	s0 =	simm.s32 @p1 $0x1  }
0x15: {  	[smem:$0x3FB8] =	sst s0;
	s0 =	simm.s32 @!p2 $0x0  }
0x16: {  	s3 =	sld [smem:$0x3FDB];
	s0 =	simm.s32 @p2 $0x1  }
0x17: {  	s4 =	simm.s32 $0x1BF5;
	[smem:$0x3FBA] =	sst s0  }
0x18: {  	s0 =	sld [smem:$0x3F9D];
	_ =	swait.ge [sflag:s4], $0x0  }
0x19: {  	s7 =	sld [smem:$0x3F9E]  }
0x1a: {  	s8 =	sadd.s32 $0xFFFFE003, lr  }
0x1b: {  	s9 =	sadd.s32 $0xFFFFFEF7, lr;
	s5 =	simm.s32 $0xFFFFFFFF;
	p2 =	slt.u32 s8, $0xFFFFF086  }
0x1c: {  	p1 =	slt.u32 s9, $0xF7A;
	s5 =	simm.s32 @!p2 $0x0  }
0x1d: {  	s5 =	simm.s32 @p1 $0x1;
	p0 =	seq.s32 s7, s2  }
0x1e: {  	s7 =	smul.u32 @!p0 $0xF7A, s2;
	p2 =	seq.s32 @!p0 s5, $0x0  }
0x1f: {  	s9 =	smul.u32 $0xF7A, s1;
	s8 =	simm.s32 @!p0 $0x1BF5;
	p2 =	por !p2, p0  }
0x20: {  	[sflag:s8] =	ssyncset.s32 @!p0 $0xFFFFF086;
	s6 =	sadd.s32 @!p0 s3, s7;
	s7 =	simm.s32 @!p0 $0x108  }
0x21: {  	s3 =	sadd.s32 s3, s9;
	s6 =	sadd.s32 @!p0 $0x88, s6;
	s7 =	simm.s32 @p2 $0x1082  }
0x22: {  	[simem:s7], [sflag:s8] =	dma.local @!p0 [hbm:s6], $0xF7A  }
0x23: {  	s9 =	sor.u32 $0xD0000000, s2;
	s6 =	simm.s32 $0x108;
	_ =	swait.ge @!p0 [sflag:s8], $0x0  }
0x24: {  	s3 =	sadd.s32 $0x88, s3;
	s6 =	simm.s32 @!p1 $0x1082;
	[sflag:s4] =	ssyncset.s32 $0xFFFFF086  }
0x25: {  	[simem:s6], [sflag:s4] =	dma.local [hbm:s3], $0xF7A  }
0x26: {  	[smem:$0x3F9E] =	sst s1;
	(tag) =	ssettag s2;
	_ =	strace s9  }
0x27: {  	s1 =	sld [smem:$0x3FAE]  }
0x28: {  	s2 =	sld [smem:$0x3FAF]  }
0x29: {  	s4 =	sld [smem:$0x3FB1]  }
0x2a: {  	p0 =	seq.s32 s5, $0x0;
	s5 =	sld [smem:$0x3FB2]  }
0x2b: {  	s6 =	sld [smem:$0x3FB3]  }
0x2c: {  	s7 =	sld [smem:$0x3FB4]  }
0x2d: {  	s3 =	simm.s32 $0x108;
	s8 =	sld [smem:$0x3FB5]  }
0x2e: {  	s3 =	simm.s32 @!p0 $0x1082;
	s9 =	sld [smem:$0x3FB6]  }
0x2f: {  	lr =	sadd.s32 s0, s3;
	s0 =	sld [smem:$0x3FAD]  }
0x30: {  	s3 =	sld [smem:$0x3FB0]  }
0x31: {  	[smem:$0x3FB9] =	sst s10  }
0x32: {  	s10 =	sld [smem:$0x3FB7];
	_ =	sdelay $0x3  }
0x33: {  	p0 =	seq.s32 s10, $0x1;
	s10 =	sld [smem:$0x3FB9];
	_ =	sdelay $0x3  }
0x34: {  	[smem:$0x3FB9] =	sst s10  }
0x35: {  	s10 =	sld [smem:$0x3FB8];
	_ =	sdelay $0x3  }
0x36: {  	p1 =	seq.s32 s10, $0x1;
	s10 =	sld [smem:$0x3FB9];
	_ =	sdelay $0x3  }
0x37: {  	[smem:$0x3FB9] =	sst s10  }
0x38: {  	s10 =	sld [smem:$0x3FBA]  }
0x39: {  	_ = 	snop;
	(pc) =	sbr.ind lr, $3  }
0x3a: {  	_ = 	snop  }
0x3b: {  	_ = 	snop  }
0x3c: {  	p2 =	seq.s32 s10, $0x1;
	s10 =	sld [smem:$0x3FB9]  }
0x3d: {  	_ =	shalt  }
0x3e: {  	_ =	shalt  }
0x3f: {  	_ =	shalt  }
0x40: {  	_ =	shalt  }
0x41: {  	_ =	shalt  }
0x42: {  	_ =	shalt  }
0x43: {  	_ =	shalt  }
0x44: {  	_ =	shalt  }
0x45: {  	_ =	shalt  }
0x46: {  	_ =	shalt  }
0x47: {  	_ =	shalt  }
0x48: {  	_ =	shalt  }
0x49: {  	_ =	shalt  }
0x4a: {  	_ =	shalt  }
0x4b: {  	_ =	shalt  }
0x4c: {  	_ =	shalt  }
0x4d: {  	_ =	shalt  }
0x4e: {  	_ =	shalt  }
0x4f: {  	_ =	shalt  }
0x50: {  	_ =	shalt  }
0x51: {  	_ =	shalt  }
0x52: {  	_ =	shalt  }
0x53: {  	_ =	shalt  }
0x54: {  	_ =	shalt  }
0x55: {  	_ =	shalt  }
0x56: {  	_ =	shalt  }
0x57: {  	_ =	shalt  }
0x58: {  	_ =	shalt  }
0x59: {  	_ =	shalt  }
0x5a: {  	_ =	shalt  }
0x5b: {  	_ =	shalt  }
0x5c: {  	_ =	shalt  }
0x5d: {  	_ =	shalt  }
0x5e: {  	_ =	shalt  }
0x5f: {  	_ =	shalt  }
0x60: {  	_ =	shalt  }
0x61: {  	_ =	shalt  }
0x62: {  	_ =	shalt  }
0x63: {  	_ =	shalt  }
0x64: {  	_ =	shalt  }
0x65: {  	_ =	shalt  }
0x66: {  	_ =	shalt  }
0x67: {  	_ =	shalt  }
0x68: {  	_ =	shalt  }
0x69: {  	_ =	shalt  }
0x6a: {  	_ =	shalt  }
0x6b: {  	_ =	shalt  }
0x6c: {  	_ =	shalt  }
0x6d: {  	_ =	shalt  }
0x6e: {  	_ =	shalt  }
0x6f: {  	_ =	shalt  }
0x70: {  	_ =	shalt  }
0x71: {  	_ =	shalt  }
0x72: {  	_ =	shalt  }
0x73: {  	_ =	shalt  }
0x74: {  	_ =	shalt  }
0x75: {  	_ =	shalt  }
0x76: {  	_ =	shalt  }
0x77: {  	_ =	shalt  }
0x78: {  	_ =	shalt  }
0x79: {  	_ =	shalt  }
0x7a: {  	_ =	shalt  }
0x7b: {  	_ =	shalt  }
0x7c: {  	_ =	shalt  }
0x7d: {  	_ =	shalt  }
0x7e: {  	_ =	shalt  }
0x7f: {  	_ =	shalt  }
0x80: {  	_ =	shalt  }
0x81: {  	_ =	shalt  }
0x82: {  	_ =	shalt  }
0x83: {  	_ =	shalt  }
0x84: {  	_ =	shalt  }
0x85: {  	_ =	shalt  }
0x86: {  	_ =	shalt  }
0x87: {  	_ =	shalt  }
.Lfunc_end0:
.L_simem_size_0:
called_computation_lowered:
.L_overlay_start_0:
0x88: {  	s2 =	sld [smem:$0x3FD9]  }
0x89: {  	s3 =	sld [smem:$0x3FFE];
	_ =	sdelay $0x1  }
0x8a: {  	s1 =	srdreg.scid  }
0x8b: {  	s0 =	sand.u32 $0x1, s1  }
0x8c: {  	s17 =	sshll.u32 s0, $0xA;
	s2 =	sadd.s32 s3, s2  }
0x8d: {  	s2 =	sadd.s32 s2, s17  }
0x8e: {  	[smem:$0x3FC5] =	sst s2  }
0x8f: {  	_ = 	snop  }
0x90: {  	s2 =	sld [smem:$0x3FC9];
	(tm) =	ssettm $0x1  }
0x91: {  	s18 =	sld [smem:$0x3FFB];
	_ =	sdelay $0x3  }
0x92: {  	_ =	strace s18  }
0x93: {  	s3 =	sld [smem:$0x3FFC];
	_ =	sdelay $0x3  }
0x94: {  	_ =	strace s3  }
0x95: {  	s3 =	sld [smem:$0x3FFD];
	_ =	sdelay $0x3  }
0x96: {  	_ =	strace s3  }
0x97: {  	_ =	strace $0x8FFFFFFF  }
0x98: {  	s19 =	sld [smem:$0x3FDB];
	_ =	sdelay $0x1  }
0x99: {  	s4 =	simm.s32 $_scs_section_size  }
0x9a: {  	s5 =	simm.s32 $_size__tile_overlayer_lowered;
	s6 =	simm.s32 $_tile_overlayer_lowered  }
0x9b: {  	s22 =	simm.s32 $0x1BFF;
	s21 =	sshll.u32 s6, $0x1;
	s3 =	sadd.s32 s4, s19  }
0x9c: {  	s7 =	simm.s32 $0x0;
	s20 =	sshll.u32 s5, $0x1;
	s5 =	sadd.s32 s21, s3  }
0x9d: {  	[timem:s7], [sflag:s22] =	dma.local [hbm:s5], s20  }
0x9e: {  	_ =	swait.ge [sflag:s22], s20  }
0x9f: {  	s4 =	ssub.s32 $0x0, s20;
	[sflag:s22] =	ssyncset.done $0x0  }
0xa0: {  	[sflag:s22] =	ssyncadd.s32 s4;
	_ =	sdelay $0x1  }
0xa1: {  	s23 =	simm.s32 $0x1B8B  }
0xa2: {  	_ =	swait.ge [sflag:s23], $0x1  }
0xa3: {  	[sflag:s23] =	ssyncset.done $0x0  }
0xa4: {  	s25 =	simm.s32 $0x1B8E;
	s24 =	sld [smem:$0x3FFE];
	[sflag:s23] =	ssyncadd.s32 $0xFFFFFFFF  }
0xa5: {  	s26 =	simm.s32 $execute0_lowered;
	[smem:$0x3FD2] =	sst s25  }
0xa6: {  	s5 =	sshll.u32 s26, $0x1;
	_ =	strace $0x80000046;
	[dreg:$0x1] =	wrdreg $0xFFFFFFFF  }
0xa7: {  	s28 =	simm.s32 $_size_execute0_lowered;
	s3 =	sadd.s32 s3, s5;
	[dreg:$0x0] =	wrdreg $0x0  }
0xa8: {  	s5 =	sshll.u32 s28, $0x1;
	[dreg:$0x2] =	wrdreg s3  }
0xa9: {  	[dreg:$0x3] =	wrdreg s5  }
0xaa: {  	[dreg:$0x4] =	wrdreg $0xC0  }
0xab: {  	_ =	task [dreg:s7], $0x5FFFF  }
0xac: {  	[dreg:$0x1] =	wrdreg $0xFFFFFFFF  }
0xad: {  	[dreg:$0x0] =	wrdreg $0x60  }
0xae: {  	[dreg:$0x2] =	wrdreg s2  }
0xaf: {  	[dreg:$0x3] =	wrdreg s24  }
0xb0: {  	[dreg:$0x4] =	wrdreg $0x9  }
0xb1: {  	_ =	task.clear_ibuf [dreg:s7], $0x5FFFF;
	_ =	strace $0x90000046  }
0xb2: {  	s29 =	simm.s32 $0x9;
	_ =	strace $0x80000048  }
0xb3: {  	_ =	swait.ge [sflag:s29], $0x1  }
0xb4: {  	[sflag:s29] =	ssyncadd.s32 $0xFFFFFFFF  }
0xb5: {  	_ =	strace $0x90000048  }
0xb6: {  	_ =	sfence  }
0xb7: {  	s30 =	sld [smem:$0x0];
	_ =	sdelay $0x2  }
0xb8: {  	s31 =	sshll.u32 s1, $0xD;
	s1 =	sshrl.u32 s1, $0x2  }
0xb9: {  	s3 =	sand.u32 $0x4000, s31;
	s1 =	sadd.s32 s1, s30  }
0xba: {  	s0 =	sor.u32 s3, s0;
	s1 =	sshll.u32 s1, $0x11  }
0xbb: {  	s0 =	sor.u32 s1, s0  }
0xbc: {  	s0 =	sadd.s32 $0x8F2B, s0  }
0xbd: {  	[sflag:s0] =	ssyncadd.remote.s32 $0x1  }
0xbe: {  	_ =	sfence.sel $0xFFFF  }
0xbf: {  	[dreg:$0x0] =	wrdreg $0xFFFFFFFF;
	(pc) =	sbr.abs _section_cstart, $3  }
0xc0: {  	[dreg:$0x1] =	wrdreg $0xFFFFFFFF  }
0xc1: {  	_ =	task.clear_ibuf [dreg:s7], $0x2FFFF;
	_ =	strace $0x9FFFFFFF  }
0xc2: {  	(tm) =	ssettm $0x7FFFFFFF  }
0xc3: {  	_ =	shalt  }
tec
execute0_lowered:
.L_overlay_start_1:
0x0: {  	(tag) =	ssettag $0x1  }
0x1: {  	s2 =	rddreg [dreg:$0x0]  }
0x2: {  	s0 =	rddreg [dreg:$0x1]  }
0x3: {  	s1 =	srdreg.scid;
	s4 =	stileid.u32;
	s3 =	simm.s32 $0x0  }
0x4: {  	s12 =	simm.s32 $0x3;
	s30 =	simm.s32 $0x2;
	s13 =	simm.s32 $0x1900  }
0x5: {  	s14 =	simm.s32 $0x2100;
	s15 =	simm.s32 $0x2900;
	s16 =	simm.s32 $0x3100  }
0x6: {  	s17 =	simm.s32 $0x3900;
	s28 =	simm.s32 $0x9100;
	s31 =	simm.s32 $0x9900  }
0x7: {  	s29 =	simm.s32 $0xA100;
	s1 =	sand.u32 $0x1, s1;
	s4 =	sshll.u32 s4, $0x1  }
0x8: {  	[smem:$0x7FF] =	sst s3;
	s7 =	sadd.s32 $0x1A00, s0;
	s4 =	sor.u32 s1, s4  }
0x9: {  	s0 =	sadd.s32 $0x1E00, s0;
	s1 =	ssub.s32 $0x2, s1;
	s6 =	smul.u32 $0xA0, s4  }
0xa: {  	_ =	strace $0x80000047;
	s5 =	sshrl.u32 s1, $0x1;
	s10 =	smul.u32 $0x5000, s4  }
0xb: {  	s4 =	sadd.s32 $0x100, s2;
	s1 =	ssub.s32 s1, s5;
	s18 =	sshrl.u32 s6, $0x3  }
0xc: {  	s8 =	sadd.s32 $0x28, s6;
	s20 =	sadd.s32 s0, s10;
	s21 =	sadd.s32 $0x50, s6  }
0xd: {  	s6 =	sadd.s32 $0x78, s6;
	s5 =	sadd.s32 s7, s18;
	s9 =	sshrl.u32 s8, $0x3  }
0xe: {  	[dreg:$0x5] =	wrdreg s20;
	s22 =	sshrl.u32 s21, $0x3;
	s8 =	sshll.u32 s8, $0x7  }
0xf: {  	s23 =	sshrl.u32 s6, $0x3;
	s24 =	sshll.u32 s21, $0x7;
	s26 =	sshll.u32 s6, $0x7  }
0x10: {  	s6 =	sadd.s32 $0x300, s2;
	s18 =	simm.s32 $0x4100;
	s20 =	simm.s32 $0x5100  }
0x11: {  	s21 =	simm.s32 $0x5900;
	[dreg:$0x3] =	wrdreg s5;
	s19 =	sadd.s32 s7, s9  }
0x12: {  	s5 =	sadd.s32 $0x200, s2;
	s9 =	sadd.s32 s7, s22;
	[dreg:$0x4] =	wrdreg s19  }
0x13: {  	s8 =	sadd.s32 s0, s8;
	s7 =	sadd.s32 s7, s23;
	[dreg:$0x6] =	wrdreg s9  }
0x14: {  	s25 =	sadd.s32 s0, s24;
	s0 =	sadd.s32 s0, s26;
	[dreg:$0x7] =	wrdreg s8  }
0x15: {  	s22 =	simm.s32 $0x6100;
	s23 =	simm.s32 $0x6900;
	[dreg:$0x8] =	wrdreg s7  }
0x16: {  	v2 =	vlaneseq.u32;
	s24 =	simm.s32 $0x7100;
	s26 =	simm.s32 $0x8100;
	[dreg:$0x9] =	wrdreg s25  }
0x17: {  	vm0 =	vmmov $0xffff;
	v1 =	vshrl.u32 v2, $0x3;
	[dreg:$0xa] =	wrdreg s0;
	s7 =	smax.u32 s1, $0x1;
	s8 =	simm.s32 $0x5  }
0x18: {  	v0 =	vand.u32 $0x7, v2;
	v2 =	vor.u32 $0x8, v2;
	v1 =	vmul.u32 $0x8, v1;
	s0 =	simm.s32 $0x4;
	s19 =	simm.s32 $0x4900;
	s25 =	simm.s32 $0x7900  }
.LBB2_1:
0x19: {  	s1 =	rddreg [dreg:$0x3]  }
0x1a: {  	[tilespmem:s3], [sflag:$0x5] =	stream.linear.gather [hbm4b:s1+s3], $0x28, $0x38;
	[tilespmem:$0x14100] =	vst v63  }
0x1b: {  	_ =	swait.ge [sflag:s8], $0x28  }
0x1c: {  	[sflag:s8] =	ssyncset.done $0x0  }
0x1d: {  	[sflag:s8] =	ssyncadd.s32 $0xFFFFFFD8  }
0x1e: {  	v3 =	vld [tilespmem:$0x0];
	_ =	sdelay $0x4  }
0x1f: {  	v4 =	vshll.u32 v3, $0x3  }
0x20: {  	v3 =	vand.u32 $0x7, v3;
	v4 =	vand.u32 $0xFFFFFFC0, v4  }
0x21: {  	v3 =	vor.u32 v3, v4  }
0x22: {  	v4 =	vperm.xlane v3, v0;
	_ =	sdelay $0x1  }
0x23: {  	v4 =	vadd.s32 v1, v4;
	_ =	sdelay $0x3  }
0x24: {  	s10 =	simm.s32 $0x100  }
0x25: {  	[tilespmem:s10], [sflag:$0x1] =	stream.indirect_vreg.gather [hbm4b:s2+s3], $0x80, v4, vm0, $0xb8;
	[tilespmem:$0x14100] =	vst v63  }
0x26: {  	s11 =	simm.s32 $0x900;
	v3 =	vperm.xlane v3, v2  }
0x27: {  	[tilespmem:s11], [sflag:$0x1] =	stream.indirect_vreg.gather [hbm4b:s4+s3], $0x80, v4, vm0, $0xb8;
	[tilespmem:$0x14100] =	vst v63  }
0x28: {  	s9 =	simm.s32 $0x1100;
	v3 =	vadd.s32 v1, v3  }
0x29: {  	[tilespmem:s9], [sflag:$0x1] =	stream.indirect_vreg.gather [hbm4b:s5+s3], $0x80, v4, vm0, $0xb8;
	[tilespmem:$0x14100] =	vst v63  }
0x2a: {  	_ = 	snop  }
0x2b: {  	[tilespmem:s13], [sflag:$0x1] =	stream.indirect_vreg.gather [hbm4b:s6+s3], $0x80, v4, vm0, $0xb8;
	[tilespmem:$0x14100] =	vst v63  }
0x2c: {  	_ = 	snop  }
0x2d: {  	[tilespmem:s14], [sflag:$0x1] =	stream.indirect_vreg.gather [hbm4b:s2+s3], $0x80, v3, vm0, $0xb8;
	[tilespmem:$0x14100] =	vst v63  }
0x2e: {  	_ = 	snop  }
0x2f: {  	[tilespmem:s15], [sflag:$0x1] =	stream.indirect_vreg.gather [hbm4b:s4+s3], $0x80, v3, vm0, $0xb8;
	[tilespmem:$0x14100] =	vst v63  }
0x30: {  	_ = 	snop  }
0x31: {  	[tilespmem:s16], [sflag:$0x1] =	stream.indirect_vreg.gather [hbm4b:s5+s3], $0x80, v3, vm0, $0xb8;
	[tilespmem:$0x14100] =	vst v63  }
0x32: {  	_ = 	snop  }
0x33: {  	[tilespmem:s17], [sflag:$0x1] =	stream.indirect_vreg.gather [hbm4b:s6+s3], $0x80, v3, vm0, $0xb8;
	[tilespmem:$0x14100] =	vst v63  }
0x34: {  	v3 =	vld [tilespmem:$0x10];
	_ =	sdelay $0x4  }
0x35: {  	v53 =	vshll.u32 v3, $0x3  }
0x36: {  	v3 =	vand.u32 $0x7, v3;
	v4 =	vand.u32 $0xFFFFFFC0, v53  }
0x37: {  	v3 =	vor.u32 v3, v4  }
0x38: {  	v4 =	vperm.xlane v3, v0;
	_ =	sdelay $0x1  }
0x39: {  	v4 =	vadd.s32 v1, v4;
	_ =	sdelay $0x4  }
0x3a: {  	[tilespmem:s18], [sflag:$0x1] =	stream.indirect_vreg.gather [hbm4b:s2+s3], $0x80, v4, vm0, $0xb8;
	[tilespmem:$0x14100] =	vst v63  }
0x3b: {  	v3 =	vperm.xlane v3, v2  }
0x3c: {  	[tilespmem:s19], [sflag:$0x1] =	stream.indirect_vreg.gather [hbm4b:s4+s3], $0x80, v4, vm0, $0xb8;
	[tilespmem:$0x14100] =	vst v63  }
0x3d: {  	v3 =	vadd.s32 v1, v3  }
0x3e: {  	[tilespmem:s20], [sflag:$0x1] =	stream.indirect_vreg.gather [hbm4b:s5+s3], $0x80, v4, vm0, $0xb8;
	[tilespmem:$0x14100] =	vst v63  }
0x3f: {  	_ = 	snop  }
0x40: {  	[tilespmem:s21], [sflag:$0x1] =	stream.indirect_vreg.gather [hbm4b:s6+s3], $0x80, v4, vm0, $0xb8;
	[tilespmem:$0x14100] =	vst v63  }
0x41: {  	_ = 	snop  }
0x42: {  	[tilespmem:s22], [sflag:$0x1] =	stream.indirect_vreg.gather [hbm4b:s2+s3], $0x80, v3, vm0, $0xb8;
	[tilespmem:$0x14100] =	vst v63  }
0x43: {  	_ = 	snop  }
0x44: {  	[tilespmem:s23], [sflag:$0x1] =	stream.indirect_vreg.gather [hbm4b:s4+s3], $0x80, v3, vm0, $0xb8;
	[tilespmem:$0x14100] =	vst v63  }
0x45: {  	_ = 	snop  }
0x46: {  	[tilespmem:s24], [sflag:$0x1] =	stream.indirect_vreg.gather [hbm4b:s5+s3], $0x80, v3, vm0, $0xb8;
	[tilespmem:$0x14100] =	vst v63  }
0x47: {  	_ = 	snop  }
0x48: {  	[tilespmem:s25], [sflag:$0x1] =	stream.indirect_vreg.gather [hbm4b:s6+s3], $0x80, v3, vm0, $0xb8;
	[tilespmem:$0x14100] =	vst v63  }
0x49: {  	v3 =	vld.msk [tilespmem:$0x20], $0xff;
	_ =	sdelay $0x4  }
0x4a: {  	v54 =	vshll.u32 v3, $0x3  }
0x4b: {  	v3 =	vand.u32 $0x7, v3;
	v4 =	vand.u32 $0xFFFFFFC0, v54  }
0x4c: {  	v3 =	vor.u32 v3, v4  }
0x4d: {  	v3 =	vperm.xlane v3, v0;
	_ =	sdelay $0x1  }
0x4e: {  	v3 =	vadd.s32 v1, v3;
	_ =	sdelay $0x4  }
0x4f: {  	[tilespmem:s26], [sflag:$0x1] =	stream.indirect_vreg.gather [hbm4b:s2+s3], $0x80, v3, vm0, $0xb8;
	[tilespmem:$0x14100] =	vst v63  }
0x50: {  	s10 =	simm.s32 $0x8900  }
0x51: {  	[tilespmem:s10], [sflag:$0x1] =	stream.indirect_vreg.gather [hbm4b:s4+s3], $0x80, v3, vm0, $0xb8;
	[tilespmem:$0x14100] =	vst v63  }
0x52: {  	_ = 	snop  }
0x53: {  	[tilespmem:s28], [sflag:$0x1] =	stream.indirect_vreg.gather [hbm4b:s5+s3], $0x80, v3, vm0, $0xb8;
	[tilespmem:$0x14100] =	vst v63  }
0x54: {  	_ = 	snop  }
0x55: {  	[tilespmem:s31], [sflag:$0x1] =	stream.indirect_vreg.gather [hbm4b:s6+s3], $0x80, v3, vm0, $0xb8;
	[tilespmem:$0x14100] =	vst v63  }
0x56: {  	s11 =	rddreg [dreg:$0x4];
	s9 =	simm.s32 $0x80  }
0x57: {  	[tilespmem:s9], [sflag:$0x5] =	stream.linear.gather [hbm4b:s11+s3], $0x28, $0x38;
	[tilespmem:$0x14100] =	vst v63  }
0x58: {  	_ =	swait.ge [sflag:s8], $0x28  }
0x59: {  	[sflag:s8] =	ssyncset.done $0x0  }
0x5a: {  	[sflag:s8] =	ssyncadd.s32 $0xFFFFFFD8  }
0x5b: {  	v3 =	vld [tilespmem:$0x80];
	_ =	sdelay $0x4  }
0x5c: {  	v55 =	vshll.u32 v3, $0x3  }
0x5d: {  	v3 =	vand.u32 $0x7, v3;
	v4 =	vand.u32 $0xFFFFFFC0, v55  }
0x5e: {  	v3 =	vor.u32 v3, v4  }
0x5f: {  	v4 =	vperm.xlane v3, v0;
	_ =	sdelay $0x1  }
0x60: {  	v4 =	vadd.s32 v1, v4;
	_ =	sdelay $0x4  }
0x61: {  	[tilespmem:s29], [sflag:$0x2] =	stream.indirect_vreg.gather [hbm4b:s2+s3], $0x80, v4, vm0, $0xb8;
	[tilespmem:$0x14100] =	vst v63  }
0x62: {  	s9 =	simm.s32 $0xA900;
	v3 =	vperm.xlane v3, v2  }
0x63: {  	[tilespmem:s9], [sflag:$0x2] =	stream.indirect_vreg.gather [hbm4b:s4+s3], $0x80, v4, vm0, $0xb8;
	[tilespmem:$0x14100] =	vst v63  }
0x64: {  	s10 =	simm.s32 $0xB100;
	v3 =	vadd.s32 v1, v3  }
0x65: {  	[tilespmem:s10], [sflag:$0x2] =	stream.indirect_vreg.gather [hbm4b:s5+s3], $0x80, v4, vm0, $0xb8;
	[tilespmem:$0x14100] =	vst v63  }
0x66: {  	s11 =	simm.s32 $0xB900  }
0x67: {  	[tilespmem:s11], [sflag:$0x2] =	stream.indirect_vreg.gather [hbm4b:s6+s3], $0x80, v4, vm0, $0xb8;
	[tilespmem:$0x14100] =	vst v63  }
0x68: {  	s9 =	simm.s32 $0xC100  }
0x69: {  	[tilespmem:s9], [sflag:$0x2] =	stream.indirect_vreg.gather [hbm4b:s2+s3], $0x80, v3, vm0, $0xb8;
	[tilespmem:$0x14100] =	vst v63  }
0x6a: {  	s10 =	simm.s32 $0xC900  }
0x6b: {  	[tilespmem:s10], [sflag:$0x2] =	stream.indirect_vreg.gather [hbm4b:s4+s3], $0x80, v3, vm0, $0xb8;
	[tilespmem:$0x14100] =	vst v63  }
0x6c: {  	s11 =	simm.s32 $0xD100  }
0x6d: {  	[tilespmem:s11], [sflag:$0x2] =	stream.indirect_vreg.gather [hbm4b:s5+s3], $0x80, v3, vm0, $0xb8;
	[tilespmem:$0x14100] =	vst v63  }
0x6e: {  	s9 =	simm.s32 $0xD900  }
0x6f: {  	[tilespmem:s9], [sflag:$0x2] =	stream.indirect_vreg.gather [hbm4b:s6+s3], $0x80, v3, vm0, $0xb8;
	[tilespmem:$0x14100] =	vst v63  }
0x70: {  	v3 =	vld [tilespmem:$0x90];
	_ =	sdelay $0x4  }
0x71: {  	v56 =	vshll.u32 v3, $0x3  }
0x72: {  	v3 =	vand.u32 $0x7, v3;
	v4 =	vand.u32 $0xFFFFFFC0, v56  }
0x73: {  	v3 =	vor.u32 v3, v4  }
0x74: {  	v4 =	vperm.xlane v3, v0;
	_ =	sdelay $0x1  }
0x75: {  	v4 =	vadd.s32 v1, v4;
	_ =	sdelay $0x3  }
0x76: {  	s10 =	simm.s32 $0xE100  }
0x77: {  	[tilespmem:s10], [sflag:$0x2] =	stream.indirect_vreg.gather [hbm4b:s2+s3], $0x80, v4, vm0, $0xb8;
	[tilespmem:$0x14100] =	vst v63  }
0x78: {  	s11 =	simm.s32 $0xE900;
	v3 =	vperm.xlane v3, v2  }
0x79: {  	[tilespmem:s11], [sflag:$0x2] =	stream.indirect_vreg.gather [hbm4b:s4+s3], $0x80, v4, vm0, $0xb8;
	[tilespmem:$0x14100] =	vst v63  }
0x7a: {  	s9 =	simm.s32 $0xF100;
	v3 =	vadd.s32 v1, v3  }
0x7b: {  	[tilespmem:s9], [sflag:$0x2] =	stream.indirect_vreg.gather [hbm4b:s5+s3], $0x80, v4, vm0, $0xb8;
	[tilespmem:$0x14100] =	vst v63  }
0x7c: {  	s10 =	simm.s32 $0xF900  }
0x7d: {  	[tilespmem:s10], [sflag:$0x2] =	stream.indirect_vreg.gather [hbm4b:s6+s3], $0x80, v4, vm0, $0xb8;
	[tilespmem:$0x14100] =	vst v63  }
0x7e: {  	s11 =	simm.s32 $0x10100  }
0x7f: {  	[tilespmem:s11], [sflag:$0x2] =	stream.indirect_vreg.gather [hbm4b:s2+s3], $0x80, v3, vm0, $0xb8;
	[tilespmem:$0x14100] =	vst v63  }
0x80: {  	s9 =	simm.s32 $0x10900  }
0x81: {  	[tilespmem:s9], [sflag:$0x2] =	stream.indirect_vreg.gather [hbm4b:s4+s3], $0x80, v3, vm0, $0xb8;
	[tilespmem:$0x14100] =	vst v63  }
0x82: {  	s10 =	simm.s32 $0x11100  }
0x83: {  	[tilespmem:s10], [sflag:$0x2] =	stream.indirect_vreg.gather [hbm4b:s5+s3], $0x80, v3, vm0, $0xb8;
	[tilespmem:$0x14100] =	vst v63  }
0x84: {  	s11 =	simm.s32 $0x11900  }
0x85: {  	[tilespmem:s11], [sflag:$0x2] =	stream.indirect_vreg.gather [hbm4b:s6+s3], $0x80, v3, vm0, $0xb8;
	[tilespmem:$0x14100] =	vst v63  }
0x86: {  	v3 =	vld.msk [tilespmem:$0xA0], $0xff;
	_ =	sdelay $0x4  }
0x87: {  	v57 =	vshll.u32 v3, $0x3  }
0x88: {  	v3 =	vand.u32 $0x7, v3;
	v4 =	vand.u32 $0xFFFFFFC0, v57  }
0x89: {  	v3 =	vor.u32 v3, v4  }
0x8a: {  	v3 =	vperm.xlane v3, v0;
	_ =	sdelay $0x1  }
0x8b: {  	v3 =	vadd.s32 v1, v3;
	_ =	sdelay $0x3  }
0x8c: {  	s9 =	simm.s32 $0x12100  }
0x8d: {  	[tilespmem:s9], [sflag:$0x2] =	stream.indirect_vreg.gather [hbm4b:s2+s3], $0x80, v3, vm0, $0xb8;
	[tilespmem:$0x14100] =	vst v63  }
0x8e: {  	s10 =	simm.s32 $0x12900  }
0x8f: {  	[tilespmem:s10], [sflag:$0x2] =	stream.indirect_vreg.gather [hbm4b:s4+s3], $0x80, v3, vm0, $0xb8;
	[tilespmem:$0x14100] =	vst v63  }
0x90: {  	s11 =	simm.s32 $0x13100  }
0x91: {  	[tilespmem:s11], [sflag:$0x2] =	stream.indirect_vreg.gather [hbm4b:s5+s3], $0x80, v3, vm0, $0xb8;
	[tilespmem:$0x14100] =	vst v63  }
0x92: {  	s9 =	simm.s32 $0x13900  }
0x93: {  	[tilespmem:s9], [sflag:$0x2] =	stream.indirect_vreg.gather [hbm4b:s6+s3], $0x80, v3, vm0, $0xb8;
	[tilespmem:$0x14100] =	vst v63  }
0x94: {  	s9 =	simm.s32 $0x1  }
0x95: {  	_ =	swait.ge [sflag:s9], $0xA000  }
0x96: {  	[sflag:s9] =	ssyncset.done $0x0  }
0x97: {  	s11 =	simm.s32 $0x100;
	s1 =	rddreg [dreg:$0x5];
	[sflag:s9] =	ssyncadd.s32 $0xFFFF6000  }
0x98: {  	[hbm4b:s1+s3] =	stream.linear.scatter [tilespmem:s11], [sflag:$0x3], $0xA000, $0x38;
	[tilespmem:$0x14100] =	vst v63  }
0x99: {  	s10 =	rddreg [dreg:$0x6]  }
0x9a: {  	[tilespmem:s3], [sflag:$0x5] =	stream.linear.gather [hbm4b:s10+s3], $0x28, $0x38;
	[tilespmem:$0x14100] =	vst v63  }
0x9b: {  	_ =	swait.ge [sflag:s8], $0x28  }
0x9c: {  	[sflag:s8] =	ssyncset.done $0x0  }
0x9d: {  	[sflag:s8] =	ssyncadd.s32 $0xFFFFFFD8  }
0x9e: {  	_ =	swait.ge [sflag:s12], $0xA000  }
0x9f: {  	[sflag:s12] =	ssyncset.done $0x0  }
0xa0: {  	[sflag:s12] =	ssyncadd.s32 $0xFFFF6000  }
0xa1: {  	v3 =	vld [tilespmem:$0x0];
	_ =	sdelay $0x4  }
0xa2: {  	v58 =	vshll.u32 v3, $0x3  }
0xa3: {  	v3 =	vand.u32 $0x7, v3;
	v4 =	vand.u32 $0xFFFFFFC0, v58  }
0xa4: {  	v3 =	vor.u32 v3, v4  }
0xa5: {  	v4 =	vperm.xlane v3, v0;
	_ =	sdelay $0x1  }
0xa6: {  	v4 =	vadd.s32 v1, v4;
	_ =	sdelay $0x4  }
0xa7: {  	[tilespmem:s11], [sflag:$0x1] =	stream.indirect_vreg.gather [hbm4b:s2+s3], $0x80, v4, vm0, $0xb8;
	[tilespmem:$0x14100] =	vst v63  }
0xa8: {  	s10 =	simm.s32 $0x900;
	v3 =	vperm.xlane v3, v2  }
0xa9: {  	[tilespmem:s10], [sflag:$0x1] =	stream.indirect_vreg.gather [hbm4b:s4+s3], $0x80, v4, vm0, $0xb8;
	[tilespmem:$0x14100] =	vst v63  }
0xaa: {  	v3 =	vadd.s32 v1, v3;
	s10 =	simm.s32 $0x1100  }
0xab: {  	[tilespmem:s10], [sflag:$0x1] =	stream.indirect_vreg.gather [hbm4b:s5+s3], $0x80, v4, vm0, $0xb8;
	[tilespmem:$0x14100] =	vst v63  }
0xac: {  	_ = 	snop  }
0xad: {  	[tilespmem:s13], [sflag:$0x1] =	stream.indirect_vreg.gather [hbm4b:s6+s3], $0x80, v4, vm0, $0xb8;
	[tilespmem:$0x14100] =	vst v63  }
0xae: {  	_ = 	snop  }
0xaf: {  	[tilespmem:s14], [sflag:$0x1] =	stream.indirect_vreg.gather [hbm4b:s2+s3], $0x80, v3, vm0, $0xb8;
	[tilespmem:$0x14100] =	vst v63  }
0xb0: {  	_ = 	snop  }
0xb1: {  	[tilespmem:s15], [sflag:$0x1] =	stream.indirect_vreg.gather [hbm4b:s4+s3], $0x80, v3, vm0, $0xb8;
	[tilespmem:$0x14100] =	vst v63  }
0xb2: {  	_ = 	snop  }
0xb3: {  	[tilespmem:s16], [sflag:$0x1] =	stream.indirect_vreg.gather [hbm4b:s5+s3], $0x80, v3, vm0, $0xb8;
	[tilespmem:$0x14100] =	vst v63  }
0xb4: {  	_ = 	snop  }
0xb5: {  	[tilespmem:s17], [sflag:$0x1] =	stream.indirect_vreg.gather [hbm4b:s6+s3], $0x80, v3, vm0, $0xb8;
	[tilespmem:$0x14100] =	vst v63  }
0xb6: {  	v3 =	vld [tilespmem:$0x10];
	_ =	sdelay $0x4  }
0xb7: {  	v59 =	vshll.u32 v3, $0x3  }
0xb8: {  	v3 =	vand.u32 $0x7, v3;
	v4 =	vand.u32 $0xFFFFFFC0, v59  }
0xb9: {  	v3 =	vor.u32 v3, v4  }
0xba: {  	v4 =	vperm.xlane v3, v0;
	_ =	sdelay $0x1  }
0xbb: {  	v4 =	vadd.s32 v1, v4;
	_ =	sdelay $0x4  }
0xbc: {  	[tilespmem:s18], [sflag:$0x1] =	stream.indirect_vreg.gather [hbm4b:s2+s3], $0x80, v4, vm0, $0xb8;
	[tilespmem:$0x14100] =	vst v63  }
0xbd: {  	v3 =	vperm.xlane v3, v2  }
0xbe: {  	[tilespmem:s19], [sflag:$0x1] =	stream.indirect_vreg.gather [hbm4b:s4+s3], $0x80, v4, vm0, $0xb8;
	[tilespmem:$0x14100] =	vst v63  }
0xbf: {  	v3 =	vadd.s32 v1, v3  }
0xc0: {  	[tilespmem:s20], [sflag:$0x1] =	stream.indirect_vreg.gather [hbm4b:s5+s3], $0x80, v4, vm0, $0xb8;
	[tilespmem:$0x14100] =	vst v63  }
0xc1: {  	_ = 	snop  }
0xc2: {  	[tilespmem:s21], [sflag:$0x1] =	stream.indirect_vreg.gather [hbm4b:s6+s3], $0x80, v4, vm0, $0xb8;
	[tilespmem:$0x14100] =	vst v63  }
0xc3: {  	_ = 	snop  }
0xc4: {  	[tilespmem:s22], [sflag:$0x1] =	stream.indirect_vreg.gather [hbm4b:s2+s3], $0x80, v3, vm0, $0xb8;
	[tilespmem:$0x14100] =	vst v63  }
0xc5: {  	_ = 	snop  }
0xc6: {  	[tilespmem:s23], [sflag:$0x1] =	stream.indirect_vreg.gather [hbm4b:s4+s3], $0x80, v3, vm0, $0xb8;
	[tilespmem:$0x14100] =	vst v63  }
0xc7: {  	_ = 	snop  }
0xc8: {  	[tilespmem:s24], [sflag:$0x1] =	stream.indirect_vreg.gather [hbm4b:s5+s3], $0x80, v3, vm0, $0xb8;
	[tilespmem:$0x14100] =	vst v63  }
0xc9: {  	_ = 	snop  }
0xca: {  	[tilespmem:s25], [sflag:$0x1] =	stream.indirect_vreg.gather [hbm4b:s6+s3], $0x80, v3, vm0, $0xb8;
	[tilespmem:$0x14100] =	vst v63  }
0xcb: {  	v3 =	vld.msk [tilespmem:$0x20], $0xff;
	_ =	sdelay $0x4  }
0xcc: {  	v60 =	vshll.u32 v3, $0x3  }
0xcd: {  	v3 =	vand.u32 $0x7, v3;
	v4 =	vand.u32 $0xFFFFFFC0, v60  }
0xce: {  	v3 =	vor.u32 v3, v4  }
0xcf: {  	v3 =	vperm.xlane v3, v0;
	_ =	sdelay $0x1  }
0xd0: {  	v3 =	vadd.s32 v1, v3;
	_ =	sdelay $0x4  }
0xd1: {  	[tilespmem:s26], [sflag:$0x1] =	stream.indirect_vreg.gather [hbm4b:s2+s3], $0x80, v3, vm0, $0xb8;
	[tilespmem:$0x14100] =	vst v63  }
0xd2: {  	s10 =	simm.s32 $0x8900  }
0xd3: {  	[tilespmem:s10], [sflag:$0x1] =	stream.indirect_vreg.gather [hbm4b:s4+s3], $0x80, v3, vm0, $0xb8;
	[tilespmem:$0x14100] =	vst v63  }
0xd4: {  	_ = 	snop  }
0xd5: {  	[tilespmem:s28], [sflag:$0x1] =	stream.indirect_vreg.gather [hbm4b:s5+s3], $0x80, v3, vm0, $0xb8;
	[tilespmem:$0x14100] =	vst v63  }
0xd6: {  	_ = 	snop  }
0xd7: {  	[tilespmem:s31], [sflag:$0x1] =	stream.indirect_vreg.gather [hbm4b:s6+s3], $0x80, v3, vm0, $0xb8;
	[tilespmem:$0x14100] =	vst v63  }
0xd8: {  	_ =	swait.ge [sflag:s30], $0xA000  }
0xd9: {  	[sflag:s30] =	ssyncset.done $0x0  }
0xda: {  	s1 =	rddreg [dreg:$0x7];
	[sflag:s30] =	ssyncadd.s32 $0xFFFF6000  }
0xdb: {  	[hbm4b:s1+s3] =	stream.linear.scatter [tilespmem:s29], [sflag:$0x4], $0xA000, $0x38;
	[tilespmem:$0x14100] =	vst v63  }
0xdc: {  	s10 =	rddreg [dreg:$0x8];
	s1 =	simm.s32 $0x80  }
0xdd: {  	[tilespmem:s1], [sflag:$0x5] =	stream.linear.gather [hbm4b:s10+s3], $0x28, $0x38;
	[tilespmem:$0x14100] =	vst v63  }
0xde: {  	_ =	swait.ge [sflag:s8], $0x28  }
0xdf: {  	[sflag:s8] =	ssyncset.done $0x0  }
0xe0: {  	[sflag:s8] =	ssyncadd.s32 $0xFFFFFFD8  }
0xe1: {  	_ =	swait.ge [sflag:s0], $0xA000  }
0xe2: {  	[sflag:s0] =	ssyncset.done $0x0  }
0xe3: {  	[sflag:s0] =	ssyncadd.s32 $0xFFFF6000  }
0xe4: {  	v3 =	vld [tilespmem:$0x80];
	_ =	sdelay $0x4  }
0xe5: {  	v61 =	vshll.u32 v3, $0x3  }
0xe6: {  	v3 =	vand.u32 $0x7, v3;
	v4 =	vand.u32 $0xFFFFFFC0, v61  }
0xe7: {  	v3 =	vor.u32 v3, v4  }
0xe8: {  	v4 =	vperm.xlane v3, v0;
	_ =	sdelay $0x1  }
0xe9: {  	v4 =	vadd.s32 v1, v4;
	_ =	sdelay $0x4  }
0xea: {  	[tilespmem:s29], [sflag:$0x2] =	stream.indirect_vreg.gather [hbm4b:s2+s3], $0x80, v4, vm0, $0xb8;
	[tilespmem:$0x14100] =	vst v63  }
0xeb: {  	s10 =	simm.s32 $0xA900;
	v3 =	vperm.xlane v3, v2  }
0xec: {  	[tilespmem:s10], [sflag:$0x2] =	stream.indirect_vreg.gather [hbm4b:s4+s3], $0x80, v4, vm0, $0xb8;
	[tilespmem:$0x14100] =	vst v63  }
0xed: {  	v3 =	vadd.s32 v1, v3;
	s10 =	simm.s32 $0xB100  }
0xee: {  	[tilespmem:s10], [sflag:$0x2] =	stream.indirect_vreg.gather [hbm4b:s5+s3], $0x80, v4, vm0, $0xb8;
	[tilespmem:$0x14100] =	vst v63  }
0xef: {  	s10 =	simm.s32 $0xB900  }
0xf0: {  	[tilespmem:s10], [sflag:$0x2] =	stream.indirect_vreg.gather [hbm4b:s6+s3], $0x80, v4, vm0, $0xb8;
	[tilespmem:$0x14100] =	vst v63  }
0xf1: {  	s10 =	simm.s32 $0xC100  }
0xf2: {  	[tilespmem:s10], [sflag:$0x2] =	stream.indirect_vreg.gather [hbm4b:s2+s3], $0x80, v3, vm0, $0xb8;
	[tilespmem:$0x14100] =	vst v63  }
0xf3: {  	s10 =	simm.s32 $0xC900  }
0xf4: {  	[tilespmem:s10], [sflag:$0x2] =	stream.indirect_vreg.gather [hbm4b:s4+s3], $0x80, v3, vm0, $0xb8;
	[tilespmem:$0x14100] =	vst v63  }
0xf5: {  	s10 =	simm.s32 $0xD100  }
0xf6: {  	[tilespmem:s10], [sflag:$0x2] =	stream.indirect_vreg.gather [hbm4b:s5+s3], $0x80, v3, vm0, $0xb8;
	[tilespmem:$0x14100] =	vst v63  }
0xf7: {  	s10 =	simm.s32 $0xD900  }
0xf8: {  	[tilespmem:s10], [sflag:$0x2] =	stream.indirect_vreg.gather [hbm4b:s6+s3], $0x80, v3, vm0, $0xb8;
	[tilespmem:$0x14100] =	vst v63  }
0xf9: {  	v3 =	vld [tilespmem:$0x90];
	_ =	sdelay $0x4  }
0xfa: {  	v62 =	vshll.u32 v3, $0x3  }
0xfb: {  	v3 =	vand.u32 $0x7, v3;
	v4 =	vand.u32 $0xFFFFFFC0, v62  }
0xfc: {  	v3 =	vor.u32 v3, v4  }
0xfd: {  	v4 =	vperm.xlane v3, v0;
	_ =	sdelay $0x1  }
0xfe: {  	v4 =	vadd.s32 v1, v4;
	_ =	sdelay $0x3  }
0xff: {  	s10 =	simm.s32 $0xE100  }
0x100: {  	[tilespmem:s10], [sflag:$0x2] =	stream.indirect_vreg.gather [hbm4b:s2+s3], $0x80, v4, vm0, $0xb8;
	[tilespmem:$0x14100] =	vst v63  }
0x101: {  	v3 =	vperm.xlane v3, v2;
	s10 =	simm.s32 $0xE900  }
0x102: {  	[tilespmem:s10], [sflag:$0x2] =	stream.indirect_vreg.gather [hbm4b:s4+s3], $0x80, v4, vm0, $0xb8;
	[tilespmem:$0x14100] =	vst v63  }
0x103: {  	v3 =	vadd.s32 v1, v3;
	s10 =	simm.s32 $0xF100  }
0x104: {  	[tilespmem:s10], [sflag:$0x2] =	stream.indirect_vreg.gather [hbm4b:s5+s3], $0x80, v4, vm0, $0xb8;
	[tilespmem:$0x14100] =	vst v63  }
0x105: {  	s10 =	simm.s32 $0xF900  }
0x106: {  	[tilespmem:s10], [sflag:$0x2] =	stream.indirect_vreg.gather [hbm4b:s6+s3], $0x80, v4, vm0, $0xb8;
	[tilespmem:$0x14100] =	vst v63  }
0x107: {  	s10 =	simm.s32 $0x10100  }
0x108: {  	[tilespmem:s10], [sflag:$0x2] =	stream.indirect_vreg.gather [hbm4b:s2+s3], $0x80, v3, vm0, $0xb8;
	[tilespmem:$0x14100] =	vst v63  }
0x109: {  	s10 =	simm.s32 $0x10900  }
0x10a: {  	[tilespmem:s10], [sflag:$0x2] =	stream.indirect_vreg.gather [hbm4b:s4+s3], $0x80, v3, vm0, $0xb8;
	[tilespmem:$0x14100] =	vst v63  }
0x10b: {  	s10 =	simm.s32 $0x11100  }
0x10c: {  	[tilespmem:s10], [sflag:$0x2] =	stream.indirect_vreg.gather [hbm4b:s5+s3], $0x80, v3, vm0, $0xb8;
	[tilespmem:$0x14100] =	vst v63  }
0x10d: {  	s10 =	simm.s32 $0x11900  }
0x10e: {  	[tilespmem:s10], [sflag:$0x2] =	stream.indirect_vreg.gather [hbm4b:s6+s3], $0x80, v3, vm0, $0xb8;
	[tilespmem:$0x14100] =	vst v63  }
0x10f: {  	v3 =	vld.msk [tilespmem:$0xA0], $0xff;
	_ =	sdelay $0x4  }
0x110: {  	v63 =	vshll.u32 v3, $0x3  }
0x111: {  	v3 =	vand.u32 $0x7, v3;
	v4 =	vand.u32 $0xFFFFFFC0, v63  }
0x112: {  	v3 =	vor.u32 v3, v4  }
0x113: {  	v3 =	vperm.xlane v3, v0;
	_ =	sdelay $0x1  }
0x114: {  	v3 =	vadd.s32 v1, v3;
	_ =	sdelay $0x3  }
0x115: {  	s10 =	simm.s32 $0x12100  }
0x116: {  	[tilespmem:s10], [sflag:$0x2] =	stream.indirect_vreg.gather [hbm4b:s2+s3], $0x80, v3, vm0, $0xb8;
	[tilespmem:$0x14100] =	vst v63  }
0x117: {  	s10 =	simm.s32 $0x12900  }
0x118: {  	[tilespmem:s10], [sflag:$0x2] =	stream.indirect_vreg.gather [hbm4b:s4+s3], $0x80, v3, vm0, $0xb8;
	[tilespmem:$0x14100] =	vst v63  }
0x119: {  	s10 =	simm.s32 $0x13100  }
0x11a: {  	[tilespmem:s10], [sflag:$0x2] =	stream.indirect_vreg.gather [hbm4b:s5+s3], $0x80, v3, vm0, $0xb8;
	[tilespmem:$0x14100] =	vst v63  }
0x11b: {  	s10 =	simm.s32 $0x13900  }
0x11c: {  	[tilespmem:s10], [sflag:$0x2] =	stream.indirect_vreg.gather [hbm4b:s6+s3], $0x80, v3, vm0, $0xb8;
	[tilespmem:$0x14100] =	vst v63  }
0x11d: {  	_ =	swait.ge [sflag:s9], $0xA000  }
0x11e: {  	[sflag:s9] =	ssyncset.done $0x0  }
0x11f: {  	s11 =	simm.s32 $0x100;
	s10 =	rddreg [dreg:$0x9];
	[sflag:s9] =	ssyncadd.s32 $0xFFFF6000  }
0x120: {  	[hbm4b:s10+s3] =	stream.linear.scatter [tilespmem:s11], [sflag:$0x3], $0xA000, $0x38;
	[tilespmem:$0x14100] =	vst v63  }
0x121: {  	_ =	swait.ge [sflag:s30], $0xA000  }
0x122: {  	[sflag:s30] =	ssyncset.done $0x0  }
0x123: {  	s11 =	rddreg [dreg:$0xa];
	[sflag:s30] =	ssyncadd.s32 $0xFFFF6000  }
0x124: {  	[hbm4b:s11+s3] =	stream.linear.scatter [tilespmem:s29], [sflag:$0x4], $0xA000, $0x38;
	[tilespmem:$0x14100] =	vst v63  }
0x125: {  	p0 =	sne.s32 s7, $0x1;
	_ =	swait.ge [sflag:s12], $0xA000  }
.Ltmp0:
0x126: {  	[sflag:s12] =	ssyncset.done $0x0;
	(pc) =	sbr.rel @p0 .LBB2_1-.Ltmp0, $4  }
0x127: {  	[sflag:s12] =	ssyncadd.s32 $0xFFFF6000  }
0x128: {  	_ =	swait.ge [sflag:s0], $0xA000  }
0x129: {  	[sflag:s0] =	ssyncset.done $0x0  }
0x12a: {  	s7 =	sadd.s32 $0xFFFFFFFF, s7;
	[sflag:s0] =	ssyncadd.s32 $0xFFFF6000  }
0x12b: {  	_ =	sfence.sel $0x180000  }
0x12c: {  	[bflag:$0x0] =	sbarrier.arrive $0xFFFF  }
0x12d: {  	_ =	strace $0x90000047  }
0x12e: {  	s0 =	stileid.u32;
	[bflag:$0x2] =	sbarrier.arrive $0xFFFF  }
0x12f: {  	p0 =	sne.s32 s0, $0x0;
	s0 =	rddreg [dreg:$0x2]  }
0x130: {  	s0 =	sadd.s32 @!p0 $0x100000, s0  }
0x131: {  	[sflag:s0] =	ssyncadd.tile.s32 @!p0 $0x1;
	_ =	shalt  }
.Lfunc_end2:
_tile_overlayer_lowered:
.L_overlay_start_2:
0x132: {  	(tag) =	ssettag $0x2  }
0x133: {  	s0 =	rddreg [dreg:$0x0];
	s2 =	stileid.u32  }
0x134: {  	s1 =	rddreg [dreg:$0x1];
	p0 =	sne.s32 s2, $0x0  }
0x135: {  	s3 =	rddreg [dreg:$0x2];
	[bflag:$0x3] =	sbarrier.arrive $0xFFFF;
	s2 =	simm.s32 @!p0 $0x1C05  }
0x136: {  	[timem:s3], [sflag:s2] =	dma.local @!p0 [hbm:s0], s1  }
0x137: {  	s0 =	simm.s32 @!p0 $0x5  }
0x138: {  	_ =	swait.ge @!p0 [sflag:s0], s1  }
0x139: {  	s1 =	ssub.s32 @!p0 $0x0, s1;
	[sflag:s0] =	ssyncset.done @!p0 $0x0  }
0x13a: {  	[sflag:s0] =	ssyncadd.s32 @!p0 s1  }
0x13b: {  	[bflag:$0x3] =	sbarrier.arrive $0xFFFF  }
0x13c: {  	_ =	shalt  }

// kernel: kernel.9.cloned.1.call-start
scs
__scs_entry_jumppad:
0x0: {  	(pc) =	sbr.rel $0x88, $3  }
0x1: {  	(tag) =	ssettag $0x0;
	lr =	simm.s32 $0x1  }
0x2: {  	[smem:$0x3F9E] =	sst lr;
	_ =	strace $0xD0000000  }
0x3: {  	_ = 	snop  }
0x4: {  	_ = 	snop  }
0x5: {  	_ = 	snop  }
0x6: {  	_ = 	snop  }
0x7: {  	_ = 	snop  }
__scs_overlays_trampoline_lowered:
0x8: {  	[smem:$0x3FAD] =	sst s0  }
0x9: {  	[smem:$0x3FAE] =	sst s1  }
0xa: {  	[smem:$0x3FAF] =	sst s2  }
0xb: {  	[smem:$0x3FB0] =	sst s3  }
0xc: {  	[smem:$0x3FB1] =	sst s4  }
0xd: {  	[smem:$0x3FB2] =	sst s5  }
0xe: {  	[smem:$0x3FB3] =	sst s6  }
0xf: {  	[smem:$0x3FB4] =	sst s7  }
0x10: {  	[smem:$0x3FB5] =	sst s8  }
0x11: {  	[smem:$0x3FB6] =	sst s9;
	s0 =	simm.s32 @!p0 $0x0  }
0x12: {  	s1 =	sld [smem:$0x3F9C];
	s0 =	simm.s32 @p0 $0x1  }
0x13: {  	[smem:$0x3FB7] =	sst s0;
	s0 =	simm.s32 @!p1 $0x0  }
0x14: {  	s2 =	sld [smem:$0x3F9B];
	s0 =	simm.s32 @p1 $0x1  }
0x15: {  	[smem:$0x3FB8] =	sst s0;
	s0 =	simm.s32 @!p2 $0x0  }
0x16: {  	s3 =	sld [smem:$0x3FDB];
	s0 =	simm.s32 @p2 $0x1  }
0x17: {  	s4 =	simm.s32 $0x1BF5;
	[smem:$0x3FBA] =	sst s0  }
0x18: {  	s0 =	sld [smem:$0x3F9D];
	_ =	swait.ge [sflag:s4], $0x0  }
0x19: {  	s7 =	sld [smem:$0x3F9E]  }
0x1a: {  	s8 =	sadd.s32 $0xFFFFE003, lr  }
0x1b: {  	s9 =	sadd.s32 $0xFFFFFEF7, lr;
	s5 =	simm.s32 $0xFFFFFFFF;
	p2 =	slt.u32 s8, $0xFFFFF086  }
0x1c: {  	p1 =	slt.u32 s9, $0xF7A;
	s5 =	simm.s32 @!p2 $0x0  }
0x1d: {  	s5 =	simm.s32 @p1 $0x1;
	p0 =	seq.s32 s7, s2  }
0x1e: {  	s7 =	smul.u32 @!p0 $0xF7A, s2;
	p2 =	seq.s32 @!p0 s5, $0x0  }
0x1f: {  	s9 =	smul.u32 $0xF7A, s1;
	s8 =	simm.s32 @!p0 $0x1BF5;
	p2 =	por !p2, p0  }
0x20: {  	[sflag:s8] =	ssyncset.s32 @!p0 $0xFFFFF086;
	s6 =	sadd.s32 @!p0 s3, s7;
	s7 =	simm.s32 @!p0 $0x108  }
0x21: {  	s3 =	sadd.s32 s3, s9;
	s6 =	sadd.s32 @!p0 $0x88, s6;
	s7 =	simm.s32 @p2 $0x1082  }
0x22: {  	[simem:s7], [sflag:s8] =	dma.local @!p0 [hbm:s6], $0xF7A  }
0x23: {  	s9 =	sor.u32 $0xD0000000, s2;
	s6 =	simm.s32 $0x108;
	_ =	swait.ge @!p0 [sflag:s8], $0x0  }
0x24: {  	s3 =	sadd.s32 $0x88, s3;
	s6 =	simm.s32 @!p1 $0x1082;
	[sflag:s4] =	ssyncset.s32 $0xFFFFF086  }
0x25: {  	[simem:s6], [sflag:s4] =	dma.local [hbm:s3], $0xF7A  }
0x26: {  	[smem:$0x3F9E] =	sst s1;
	(tag) =	ssettag s2;
	_ =	strace s9  }
0x27: {  	s1 =	sld [smem:$0x3FAE]  }
0x28: {  	s2 =	sld [smem:$0x3FAF]  }
0x29: {  	s4 =	sld [smem:$0x3FB1]  }
0x2a: {  	p0 =	seq.s32 s5, $0x0;
	s5 =	sld [smem:$0x3FB2]  }
0x2b: {  	s6 =	sld [smem:$0x3FB3]  }
0x2c: {  	s7 =	sld [smem:$0x3FB4]  }
0x2d: {  	s3 =	simm.s32 $0x108;
	s8 =	sld [smem:$0x3FB5]  }
0x2e: {  	s3 =	simm.s32 @!p0 $0x1082;
	s9 =	sld [smem:$0x3FB6]  }
0x2f: {  	lr =	sadd.s32 s0, s3;
	s0 =	sld [smem:$0x3FAD]  }
0x30: {  	s3 =	sld [smem:$0x3FB0]  }
0x31: {  	[smem:$0x3FB9] =	sst s10  }
0x32: {  	s10 =	sld [smem:$0x3FB7];
	_ =	sdelay $0x3  }
0x33: {  	p0 =	seq.s32 s10, $0x1;
	s10 =	sld [smem:$0x3FB9];
	_ =	sdelay $0x3  }
0x34: {  	[smem:$0x3FB9] =	sst s10  }
0x35: {  	s10 =	sld [smem:$0x3FB8];
	_ =	sdelay $0x3  }
0x36: {  	p1 =	seq.s32 s10, $0x1;
	s10 =	sld [smem:$0x3FB9];
	_ =	sdelay $0x3  }
0x37: {  	[smem:$0x3FB9] =	sst s10  }
0x38: {  	s10 =	sld [smem:$0x3FBA]  }
0x39: {  	_ = 	snop;
	(pc) =	sbr.ind lr, $3  }
0x3a: {  	_ = 	snop  }
0x3b: {  	_ = 	snop  }
0x3c: {  	p2 =	seq.s32 s10, $0x1;
	s10 =	sld [smem:$0x3FB9]  }
0x3d: {  	_ =	shalt  }
0x3e: {  	_ =	shalt  }
0x3f: {  	_ =	shalt  }
0x40: {  	_ =	shalt  }
0x41: {  	_ =	shalt  }
0x42: {  	_ =	shalt  }
0x43: {  	_ =	shalt  }
0x44: {  	_ =	shalt  }
0x45: {  	_ =	shalt  }
0x46: {  	_ =	shalt  }
0x47: {  	_ =	shalt  }
0x48: {  	_ =	shalt  }
0x49: {  	_ =	shalt  }
0x4a: {  	_ =	shalt  }
0x4b: {  	_ =	shalt  }
0x4c: {  	_ =	shalt  }
0x4d: {  	_ =	shalt  }
0x4e: {  	_ =	shalt  }
0x4f: {  	_ =	shalt  }
0x50: {  	_ =	shalt  }
0x51: {  	_ =	shalt  }
0x52: {  	_ =	shalt  }
0x53: {  	_ =	shalt  }
0x54: {  	_ =	shalt  }
0x55: {  	_ =	shalt  }
0x56: {  	_ =	shalt  }
0x57: {  	_ =	shalt  }
0x58: {  	_ =	shalt  }
0x59: {  	_ =	shalt  }
0x5a: {  	_ =	shalt  }
0x5b: {  	_ =	shalt  }
0x5c: {  	_ =	shalt  }
0x5d: {  	_ =	shalt  }
0x5e: {  	_ =	shalt  }
0x5f: {  	_ =	shalt  }
0x60: {  	_ =	shalt  }
0x61: {  	_ =	shalt  }
0x62: {  	_ =	shalt  }
0x63: {  	_ =	shalt  }
0x64: {  	_ =	shalt  }
0x65: {  	_ =	shalt  }
0x66: {  	_ =	shalt  }
0x67: {  	_ =	shalt  }
0x68: {  	_ =	shalt  }
0x69: {  	_ =	shalt  }
0x6a: {  	_ =	shalt  }
0x6b: {  	_ =	shalt  }
0x6c: {  	_ =	shalt  }
0x6d: {  	_ =	shalt  }
0x6e: {  	_ =	shalt  }
0x6f: {  	_ =	shalt  }
0x70: {  	_ =	shalt  }
0x71: {  	_ =	shalt  }
0x72: {  	_ =	shalt  }
0x73: {  	_ =	shalt  }
0x74: {  	_ =	shalt  }
0x75: {  	_ =	shalt  }
0x76: {  	_ =	shalt  }
0x77: {  	_ =	shalt  }
0x78: {  	_ =	shalt  }
0x79: {  	_ =	shalt  }
0x7a: {  	_ =	shalt  }
0x7b: {  	_ =	shalt  }
0x7c: {  	_ =	shalt  }
0x7d: {  	_ =	shalt  }
0x7e: {  	_ =	shalt  }
0x7f: {  	_ =	shalt  }
0x80: {  	_ =	shalt  }
0x81: {  	_ =	shalt  }
0x82: {  	_ =	shalt  }
0x83: {  	_ =	shalt  }
0x84: {  	_ =	shalt  }
0x85: {  	_ =	shalt  }
0x86: {  	_ =	shalt  }
0x87: {  	_ =	shalt  }
.Lfunc_end0:
.L_simem_size_0:
called_computation.1_lowered:
.L_overlay_start_0:
0x88: {  	s2 =	sld [smem:$0x3FD9]  }
0x89: {  	s3 =	sld [smem:$0x3FFE];
	_ =	sdelay $0x1  }
0x8a: {  	s1 =	srdreg.scid  }
0x8b: {  	s0 =	sand.u32 $0x1, s1  }
0x8c: {  	s17 =	sshll.u32 s0, $0xA;
	s2 =	sadd.s32 s3, s2  }
0x8d: {  	s2 =	sadd.s32 s2, s17  }
0x8e: {  	[smem:$0x3FC5] =	sst s2  }
0x8f: {  	_ = 	snop  }
0x90: {  	s18 =	sld [smem:$0x3FC9];
	(tm) =	ssettm $0x1  }
0x91: {  	s19 =	sld [smem:$0x3FFB];
	_ =	sdelay $0x3  }
0x92: {  	_ =	strace s19  }
0x93: {  	s2 =	sld [smem:$0x3FFC];
	_ =	sdelay $0x3  }
0x94: {  	_ =	strace s2  }
0x95: {  	s2 =	sld [smem:$0x3FFD];
	_ =	sdelay $0x3  }
0x96: {  	_ =	strace s2  }
0x97: {  	_ =	strace $0x8FFFFFFF  }
0x98: {  	s20 =	sld [smem:$0x3FDB];
	_ =	sdelay $0x1  }
0x99: {  	s4 =	simm.s32 $_scs_section_size  }
0x9a: {  	s5 =	simm.s32 $_size__tile_overlayer_lowered;
	s6 =	simm.s32 $_tile_overlayer_lowered  }
0x9b: {  	s7 =	simm.s32 $0x1BFF;
	s21 =	sshll.u32 s6, $0x1;
	s4 =	sadd.s32 s4, s20  }
0x9c: {  	s22 =	simm.s32 $0x0;
	s5 =	sshll.u32 s5, $0x1;
	s6 =	sadd.s32 s21, s4  }
0x9d: {  	[timem:s22], [sflag:s7] =	dma.local [hbm:s6], s5  }
0x9e: {  	_ =	swait.ge [sflag:s7], s5  }
0x9f: {  	s5 =	ssub.s32 $0x0, s5;
	[sflag:s7] =	ssyncset.done $0x0  }
0xa0: {  	[sflag:s7] =	ssyncadd.s32 s5;
	_ =	sdelay $0x1  }
0xa1: {  	s23 =	simm.s32 $0x1B8B  }
0xa2: {  	_ =	swait.ge [sflag:s23], $0x1  }
0xa3: {  	[sflag:s23] =	ssyncset.done $0x0  }
0xa4: {  	[sflag:s23] =	ssyncadd.s32 $0xFFFFFFFF  }
0xa5: {  	s5 =	sld [smem:$0x0]  }
0xa6: {  	s6 =	sand.u32 $0xFFFFFFFE, s1  }
0xa7: {  	p0 =	sne.s32 s1, s6  }
0xa8: {  	s6 =	sshll.u32 @p0 s6, $0xE  }
0xa9: {  	s6 =	sadd.s32 @p0 $0x11B8D, s6;
	s7 =	sshll.u32 @p0 s5, $0x11  }
0xaa: {  	s6 =	sor.u32 @p0 s7, s6  }
0xab: {  	[sflag:s6] =	ssyncadd.remote.s32 @p0 $0x1;
	_ =	sdelay $0x1  }
0xac: {  	s6 =	simm.s32 @p0 $0x1B8D  }
0xad: {  	_ =	swait.eq @p0 [sflag:s6], $0x1  }
0xae: {  	[sflag:s6] =	ssyncadd.s32 @p0 $0xFFFFFFFF  }
0xaf: {  	s7 =	sshll.u32 @!p0 s1, $0xE  }
0xb0: {  	s7 =	sor.u32 @!p0 $0x4000, s7;
	s6 =	simm.s32 @!p0 $0x1B8D  }
0xb1: {  	s5 =	sshll.u32 @!p0 s5, $0x11;
	s7 =	sadd.s32 @!p0 $0x11B8D, s7;
	_ =	swait.eq @!p0 [sflag:s6], $0x1  }
0xb2: {  	s5 =	sor.u32 @!p0 s5, s7;
	[sflag:s6] =	ssyncadd.s32 @!p0 $0xFFFFFFFF  }
0xb3: {  	s25 =	simm.s32 $0x1B8E;
	s24 =	sld [smem:$0x3FFE];
	[sflag:s5] =	ssyncadd.remote.s32 @!p0 $0x1  }
0xb4: {  	s26 =	simm.s32 $execute0_lowered;
	[smem:$0x3FD2] =	sst s25  }
0xb5: {  	s6 =	sshll.u32 s26, $0x1;
	_ =	strace $0x80000049;
	[dreg:$0x1] =	wrdreg $0xFFFFFFFF  }
0xb6: {  	s28 =	simm.s32 $_size_execute0_lowered;
	s4 =	sadd.s32 s4, s6;
	[dreg:$0x0] =	wrdreg $0x0  }
0xb7: {  	s6 =	sshll.u32 s28, $0x1;
	[dreg:$0x2] =	wrdreg s4  }
0xb8: {  	[dreg:$0x3] =	wrdreg s6  }
0xb9: {  	[dreg:$0x4] =	wrdreg $0xC0  }
0xba: {  	_ =	task [dreg:s22], $0x5FFFF  }
0xbb: {  	[dreg:$0x1] =	wrdreg $0xFFFFFFFF  }
0xbc: {  	[dreg:$0x0] =	wrdreg $0x60  }
0xbd: {  	[dreg:$0x2] =	wrdreg s18  }
0xbe: {  	[dreg:$0x3] =	wrdreg s24  }
0xbf: {  	[dreg:$0x4] =	wrdreg $0xA  }
0xc0: {  	_ =	task.clear_ibuf [dreg:s22], $0x5FFFF;
	_ =	strace $0x90000049  }
0xc1: {  	s29 =	simm.s32 $0xA;
	_ =	strace $0x8000004B  }
0xc2: {  	_ =	swait.ge [sflag:s29], $0x1  }
0xc3: {  	[sflag:s29] =	ssyncadd.s32 $0xFFFFFFFF  }
0xc4: {  	_ =	strace $0x9000004B  }
0xc5: {  	_ =	sfence  }
0xc6: {  	s30 =	sld [smem:$0x0];
	_ =	sdelay $0x2  }
0xc7: {  	s31 =	sshll.u32 s1, $0xD;
	s1 =	sshrl.u32 s1, $0x2  }
0xc8: {  	s4 =	sand.u32 $0x4000, s31;
	s1 =	sadd.s32 s1, s30  }
0xc9: {  	s0 =	sor.u32 s4, s0;
	s1 =	sshll.u32 s1, $0x11  }
0xca: {  	s0 =	sor.u32 s1, s0  }
0xcb: {  	s0 =	sadd.s32 $0x8F2B, s0  }
0xcc: {  	[sflag:s0] =	ssyncadd.remote.s32 $0x1  }
0xcd: {  	_ =	sfence.sel $0xFFFF  }
0xce: {  	[dreg:$0x0] =	wrdreg $0xFFFFFFFF;
	(pc) =	sbr.abs _section_cstart, $3  }
0xcf: {  	[dreg:$0x1] =	wrdreg $0xFFFFFFFF  }
0xd0: {  	_ =	task.clear_ibuf [dreg:s22], $0x2FFFF;
	_ =	strace $0x9FFFFFFF  }
0xd1: {  	(tm) =	ssettm $0x7FFFFFFF  }
tec
execute0_lowered:
.L_overlay_start_1:
0x0: {  	(tag) =	ssettag $0x1  }
0x1: {  	s1 =	srdreg.scid;
	s0 =	stileid.u32  }
0x2: {  	s2 =	rddreg [dreg:$0x0];
	s1 =	sand.u32 $0x1, s1;
	s3 =	sshll.u32 s0, $0x1  }
0x3: {  	s5 =	rddreg [dreg:$0x1];
	s4 =	sor.u32 s1, s3;
	s3 =	simm.s32 $0x0  }
0x4: {  	s19 =	simm.s32 $0x900;
	[smem:$0x7FF] =	sst s3  }
0x5: {  	s20 =	simm.s32 $0x1100;
	_ =	strace $0x8000004A;
	[dreg:$0x7] =	wrdreg s19  }
0x6: {  	s21 =	simm.s32 $0x1900;
	[dreg:$0x8] =	wrdreg s20  }
0x7: {  	s22 =	simm.s32 $0x2100;
	[dreg:$0x9] =	wrdreg s21  }
0x8: {  	s23 =	simm.s32 $0x2900;
	[dreg:$0xa] =	wrdreg s22  }
0x9: {  	s24 =	simm.s32 $0x3100;
	[dreg:$0xb] =	wrdreg s23  }
0xa: {  	s25 =	simm.s32 $0x3900;
	[dreg:$0xc] =	wrdreg s24  }
0xb: {  	s26 =	simm.s32 $0x4100;
	[dreg:$0xd] =	wrdreg s25  }
0xc: {  	s0 =	simm.s32 $0x4900;
	[dreg:$0xe] =	wrdreg s26  }
0xd: {  	s9 =	simm.s32 $0x7100;
	[dreg:$0xf] =	wrdreg s0  }
0xe: {  	s10 =	simm.s32 $0x7900;
	[dreg:$0x14] =	wrdreg s9  }
0xf: {  	s11 =	simm.s32 $0x8100;
	s12 =	simm.s32 $0x8900;
	[dreg:$0x15] =	wrdreg s10  }
0x10: {  	s13 =	simm.s32 $0x9100;
	s14 =	simm.s32 $0x9900;
	[dreg:$0x16] =	wrdreg s11  }
0x11: {  	s15 =	simm.s32 $0xA100;
	s16 =	simm.s32 $0xA900;
	[dreg:$0x17] =	wrdreg s12  }
0x12: {  	s17 =	simm.s32 $0xB100;
	s28 =	simm.s32 $0x17900;
	[dreg:$0x18] =	wrdreg s13  }
0x13: {  	s29 =	simm.s32 $0x1;
	s30 =	simm.s32 $0x2;
	[dreg:$0x19] =	wrdreg s14  }
0x14: {  	s31 =	simm.s32 $0x3;
	s6 =	smul.u32 $0x60, s4;
	[dreg:$0x1a] =	wrdreg s15  }
0x15: {  	s1 =	ssub.s32 $0x2, s1;
	s7 =	smul.u32 $0x18000, s4;
	[dreg:$0x1b] =	wrdreg s16  }
0x16: {  	s4 =	smul.u32 $0x3000, s4;
	[dreg:$0x1c] =	wrdreg s17;
	s19 =	sshrl.u32 s1, $0x1  }
0x17: {  	s20 =	simm.s32 $0x80;
	s21 =	simm.s32 $0xC900;
	s22 =	simm.s32 $0xD100  }
0x18: {  	s23 =	simm.s32 $0xD900;
	s24 =	simm.s32 $0xE100;
	[dreg:$0x1e] =	wrdreg s20  }
0x19: {  	s25 =	simm.s32 $0xE900;
	s26 =	simm.s32 $0xF100;
	[dreg:$0x1f] =	wrdreg s21  }
0x1a: {  	s9 =	simm.s32 $0x100;
	s10 =	simm.s32 $0xC100;
	[smem:$0x7F9] =	sst s22  }
0x1b: {  	s13 =	simm.s32 $0x10900;
	s14 =	simm.s32 $0x11100;
	[smem:$0x7FA] =	sst s23  }
0x1c: {  	s15 =	simm.s32 $0x11900;
	s16 =	simm.s32 $0x12100;
	[smem:$0x7FB] =	sst s24  }
0x1d: {  	s17 =	simm.s32 $0x12900;
	s6 =	sshrl.u32 s6, $0x3;
	[smem:$0x7FC] =	sst s25  }
0x1e: {  	s7 =	sshrl.u32 s7, $0x3;
	s1 =	ssub.s32 s1, s19;
	[smem:$0x7FD] =	sst s26  }
0x1f: {  	s19 =	simm.s32 $0x13900;
	s20 =	simm.s32 $0x14100;
	s6 =	sadd.s32 s6, s5  }
0x20: {  	s21 =	simm.s32 $0x14900;
	s22 =	simm.s32 $0x15100;
	s8 =	sadd.s32 $0x1C80, s6  }
0x21: {  	s5 =	sadd.s32 $0xA1E00, s5;
	s6 =	sadd.s32 $0x1C86, s6;
	[dreg:$0x3] =	wrdreg s8  }
0x22: {  	s23 =	simm.s32 $0x15900;
	s4 =	sadd.s32 s5, s4;
	[dreg:$0x4] =	wrdreg s6  }
0x23: {  	s5 =	sadd.s32 s5, s7;
	s7 =	simm.s32 $0x6100;
	[dreg:$0x5] =	wrdreg s4  }
0x24: {  	s24 =	simm.s32 $0x16100;
	s18 =	sadd.s32 $0x1800, s5;
	[dreg:$0x12] =	wrdreg s7  }
0x25: {  	s25 =	simm.s32 $0x16900;
	s5 =	simm.s32 $0x5100;
	[dreg:$0x6] =	wrdreg s18  }
0x26: {  	s26 =	simm.s32 $0x17100;
	s6 =	simm.s32 $0x5900;
	[dreg:$0x10] =	wrdreg s5  }
0x27: {  	s8 =	simm.s32 $0x6900;
	s4 =	sadd.s32 $0x100, s2;
	[dreg:$0x11] =	wrdreg s6  }
0x28: {  	v2 =	vlaneseq.u32;
	s7 =	smax.u32 s1, $0x1;
	s1 =	simm.s32 $0x4;
	[dreg:$0x13] =	wrdreg s8  }
0x29: {  	vm0 =	vmmov $0xffff;
	v1 =	vshrl.u32 v2, $0x3;
	s18 =	simm.s32 $0xB900;
	s5 =	sadd.s32 $0x200, s2;
	s6 =	sadd.s32 $0x300, s2  }
0x2a: {  	v0 =	vand.u32 $0x7, v2;
	v2 =	vor.u32 $0x8, v2;
	v1 =	vmul.u32 $0x8, v1;
	s8 =	simm.s32 $0x5;
	[dreg:$0x1d] =	wrdreg s18;
	s18 =	simm.s32 $0x13100  }
.LBB2_1:
0x2b: {  	s0 =	rddreg [dreg:$0x3]  }
0x2c: {  	[tilespmem:s3], [sflag:$0x5] =	stream.linear.gather [hbm4b:s0+s3], $0x30, $0x38;
	[tilespmem:$0x18100] =	vst v63  }
0x2d: {  	_ =	swait.ge [sflag:s8], $0x30  }
0x2e: {  	[sflag:s8] =	ssyncset.done $0x0  }
0x2f: {  	[sflag:s8] =	ssyncadd.s32 $0xFFFFFFD0  }
0x30: {  	v3 =	vld [tilespmem:$0x0];
	_ =	sdelay $0x4  }
0x31: {  	v4 =	vshll.u32 v3, $0x3  }
0x32: {  	v3 =	vand.u32 $0x7, v3;
	v4 =	vand.u32 $0xFFFFFFC0, v4  }
0x33: {  	v3 =	vor.u32 v3, v4  }
0x34: {  	v4 =	vperm.xlane v3, v0;
	_ =	sdelay $0x1  }
0x35: {  	v4 =	vadd.s32 v1, v4;
	_ =	sdelay $0x4  }
0x36: {  	[tilespmem:s9], [sflag:$0x1] =	stream.indirect_vreg.gather [hbm4b:s2+s3], $0x80, v4, vm0, $0xb8;
	[tilespmem:$0x18100] =	vst v63  }
0x37: {  	s12 =	rddreg [dreg:$0x7];
	v3 =	vperm.xlane v3, v2  }
0x38: {  	[tilespmem:s12], [sflag:$0x1] =	stream.indirect_vreg.gather [hbm4b:s4+s3], $0x80, v4, vm0, $0xb8;
	[tilespmem:$0x18100] =	vst v63  }
0x39: {  	s11 =	rddreg [dreg:$0x8];
	v3 =	vadd.s32 v1, v3  }
0x3a: {  	[tilespmem:s11], [sflag:$0x1] =	stream.indirect_vreg.gather [hbm4b:s5+s3], $0x80, v4, vm0, $0xb8;
	[tilespmem:$0x18100] =	vst v63  }
0x3b: {  	s12 =	rddreg [dreg:$0x9]  }
0x3c: {  	[tilespmem:s12], [sflag:$0x1] =	stream.indirect_vreg.gather [hbm4b:s6+s3], $0x80, v4, vm0, $0xb8;
	[tilespmem:$0x18100] =	vst v63  }
0x3d: {  	s11 =	rddreg [dreg:$0xa]  }
0x3e: {  	[tilespmem:s11], [sflag:$0x1] =	stream.indirect_vreg.gather [hbm4b:s2+s3], $0x80, v3, vm0, $0xb8;
	[tilespmem:$0x18100] =	vst v63  }
0x3f: {  	s12 =	rddreg [dreg:$0xb]  }
0x40: {  	[tilespmem:s12], [sflag:$0x1] =	stream.indirect_vreg.gather [hbm4b:s4+s3], $0x80, v3, vm0, $0xb8;
	[tilespmem:$0x18100] =	vst v63  }
0x41: {  	s11 =	rddreg [dreg:$0xc]  }
0x42: {  	[tilespmem:s11], [sflag:$0x1] =	stream.indirect_vreg.gather [hbm4b:s5+s3], $0x80, v3, vm0, $0xb8;
	[tilespmem:$0x18100] =	vst v63  }
0x43: {  	s12 =	rddreg [dreg:$0xd]  }
0x44: {  	[tilespmem:s12], [sflag:$0x1] =	stream.indirect_vreg.gather [hbm4b:s6+s3], $0x80, v3, vm0, $0xb8;
	[tilespmem:$0x18100] =	vst v63  }
0x45: {  	v3 =	vld [tilespmem:$0x10];
	_ =	sdelay $0x4  }
0x46: {  	v59 =	vshll.u32 v3, $0x3  }
0x47: {  	v3 =	vand.u32 $0x7, v3;
	v4 =	vand.u32 $0xFFFFFFC0, v59  }
0x48: {  	v3 =	vor.u32 v3, v4  }
0x49: {  	v4 =	vperm.xlane v3, v0;
	_ =	sdelay $0x1  }
0x4a: {  	v4 =	vadd.s32 v1, v4;
	_ =	sdelay $0x3  }
0x4b: {  	s11 =	rddreg [dreg:$0xe]  }
0x4c: {  	[tilespmem:s11], [sflag:$0x1] =	stream.indirect_vreg.gather [hbm4b:s2+s3], $0x80, v4, vm0, $0xb8;
	[tilespmem:$0x18100] =	vst v63  }
0x4d: {  	s12 =	rddreg [dreg:$0xf];
	v3 =	vperm.xlane v3, v2  }
0x4e: {  	[tilespmem:s12], [sflag:$0x1] =	stream.indirect_vreg.gather [hbm4b:s4+s3], $0x80, v4, vm0, $0xb8;
	[tilespmem:$0x18100] =	vst v63  }
0x4f: {  	s0 =	rddreg [dreg:$0x10];
	v3 =	vadd.s32 v1, v3  }
0x50: {  	[tilespmem:s0], [sflag:$0x1] =	stream.indirect_vreg.gather [hbm4b:s5+s3], $0x80, v4, vm0, $0xb8;
	[tilespmem:$0x18100] =	vst v63  }
0x51: {  	s12 =	rddreg [dreg:$0x11]  }
0x52: {  	[tilespmem:s12], [sflag:$0x1] =	stream.indirect_vreg.gather [hbm4b:s6+s3], $0x80, v4, vm0, $0xb8;
	[tilespmem:$0x18100] =	vst v63  }
0x53: {  	s0 =	rddreg [dreg:$0x12]  }
0x54: {  	[tilespmem:s0], [sflag:$0x1] =	stream.indirect_vreg.gather [hbm4b:s2+s3], $0x80, v3, vm0, $0xb8;
	[tilespmem:$0x18100] =	vst v63  }
0x55: {  	s12 =	rddreg [dreg:$0x13]  }
0x56: {  	[tilespmem:s12], [sflag:$0x1] =	stream.indirect_vreg.gather [hbm4b:s4+s3], $0x80, v3, vm0, $0xb8;
	[tilespmem:$0x18100] =	vst v63  }
0x57: {  	s0 =	rddreg [dreg:$0x14]  }
0x58: {  	[tilespmem:s0], [sflag:$0x1] =	stream.indirect_vreg.gather [hbm4b:s5+s3], $0x80, v3, vm0, $0xb8;
	[tilespmem:$0x18100] =	vst v63  }
0x59: {  	s12 =	rddreg [dreg:$0x15]  }
0x5a: {  	[tilespmem:s12], [sflag:$0x1] =	stream.indirect_vreg.gather [hbm4b:s6+s3], $0x80, v3, vm0, $0xb8;
	[tilespmem:$0x18100] =	vst v63  }
0x5b: {  	v3 =	vld [tilespmem:$0x20];
	_ =	sdelay $0x4  }
0x5c: {  	v60 =	vshll.u32 v3, $0x3  }
0x5d: {  	v3 =	vand.u32 $0x7, v3;
	v4 =	vand.u32 $0xFFFFFFC0, v60  }
0x5e: {  	v3 =	vor.u32 v3, v4  }
0x5f: {  	v4 =	vperm.xlane v3, v0;
	_ =	sdelay $0x1  }
0x60: {  	v4 =	vadd.s32 v1, v4;
	_ =	sdelay $0x2  }
0x61: {  	s11 =	rddreg [dreg:$0x17]  }
0x62: {  	s12 =	rddreg [dreg:$0x16]  }
0x63: {  	[tilespmem:s12], [sflag:$0x1] =	stream.indirect_vreg.gather [hbm4b:s2+s3], $0x80, v4, vm0, $0xb8;
	[tilespmem:$0x18100] =	vst v63  }
0x64: {  	s0 =	rddreg [dreg:$0x1d];
	v3 =	vperm.xlane v3, v2  }
0x65: {  	[tilespmem:s11], [sflag:$0x1] =	stream.indirect_vreg.gather [hbm4b:s4+s3], $0x80, v4, vm0, $0xb8;
	[tilespmem:$0x18100] =	vst v63  }
0x66: {  	v3 =	vadd.s32 v1, v3;
	s12 =	rddreg [dreg:$0x18]  }
0x67: {  	[tilespmem:s12], [sflag:$0x1] =	stream.indirect_vreg.gather [hbm4b:s5+s3], $0x80, v4, vm0, $0xb8;
	[tilespmem:$0x18100] =	vst v63  }
0x68: {  	s11 =	rddreg [dreg:$0x19]  }
0x69: {  	[tilespmem:s11], [sflag:$0x1] =	stream.indirect_vreg.gather [hbm4b:s6+s3], $0x80, v4, vm0, $0xb8;
	[tilespmem:$0x18100] =	vst v63  }
0x6a: {  	s12 =	rddreg [dreg:$0x1a]  }
0x6b: {  	[tilespmem:s12], [sflag:$0x1] =	stream.indirect_vreg.gather [hbm4b:s2+s3], $0x80, v3, vm0, $0xb8;
	[tilespmem:$0x18100] =	vst v63  }
0x6c: {  	s11 =	rddreg [dreg:$0x1b]  }
0x6d: {  	[tilespmem:s11], [sflag:$0x1] =	stream.indirect_vreg.gather [hbm4b:s4+s3], $0x80, v3, vm0, $0xb8;
	[tilespmem:$0x18100] =	vst v63  }
0x6e: {  	s12 =	rddreg [dreg:$0x1c]  }
0x6f: {  	[tilespmem:s12], [sflag:$0x1] =	stream.indirect_vreg.gather [hbm4b:s5+s3], $0x80, v3, vm0, $0xb8;
	[tilespmem:$0x18100] =	vst v63  }
0x70: {  	s11 =	rddreg [dreg:$0x4]  }
0x71: {  	[tilespmem:s0], [sflag:$0x1] =	stream.indirect_vreg.gather [hbm4b:s6+s3], $0x80, v3, vm0, $0xb8;
	[tilespmem:$0x18100] =	vst v63  }
0x72: {  	s12 =	rddreg [dreg:$0x1e]  }
0x73: {  	[tilespmem:s12], [sflag:$0x5] =	stream.linear.gather [hbm4b:s11+s3], $0x30, $0x38;
	[tilespmem:$0x18100] =	vst v63  }
0x74: {  	_ =	swait.ge [sflag:s8], $0x30  }
0x75: {  	[sflag:s8] =	ssyncset.done $0x0  }
0x76: {  	[sflag:s8] =	ssyncadd.s32 $0xFFFFFFD0  }
0x77: {  	v3 =	vld [tilespmem:$0x80];
	_ =	sdelay $0x4  }
0x78: {  	v61 =	vshll.u32 v3, $0x3  }
0x79: {  	v3 =	vand.u32 $0x7, v3;
	v4 =	vand.u32 $0xFFFFFFC0, v61  }
0x7a: {  	v3 =	vor.u32 v3, v4  }
0x7b: {  	v4 =	vperm.xlane v3, v0;
	_ =	sdelay $0x1  }
0x7c: {  	v4 =	vadd.s32 v1, v4;
	_ =	sdelay $0x3  }
0x7d: {  	s11 =	rddreg [dreg:$0x1f]  }
0x7e: {  	[tilespmem:s10], [sflag:$0x2] =	stream.indirect_vreg.gather [hbm4b:s2+s3], $0x80, v4, vm0, $0xb8;
	[tilespmem:$0x18100] =	vst v63  }
0x7f: {  	s12 =	sld [smem:$0x7F9];
	v3 =	vperm.xlane v3, v2  }
0x80: {  	[tilespmem:s11], [sflag:$0x2] =	stream.indirect_vreg.gather [hbm4b:s4+s3], $0x80, v4, vm0, $0xb8;
	[tilespmem:$0x18100] =	vst v63  }
0x81: {  	s0 =	sld [smem:$0x7FA];
	v3 =	vadd.s32 v1, v3  }
0x82: {  	[tilespmem:s12], [sflag:$0x2] =	stream.indirect_vreg.gather [hbm4b:s5+s3], $0x80, v4, vm0, $0xb8;
	[tilespmem:$0x18100] =	vst v63  }
0x83: {  	s12 =	sld [smem:$0x7FB]  }
0x84: {  	[tilespmem:s0], [sflag:$0x2] =	stream.indirect_vreg.gather [hbm4b:s6+s3], $0x80, v4, vm0, $0xb8;
	[tilespmem:$0x18100] =	vst v63  }
0x85: {  	s0 =	sld [smem:$0x7FC]  }
0x86: {  	[tilespmem:s12], [sflag:$0x2] =	stream.indirect_vreg.gather [hbm4b:s2+s3], $0x80, v3, vm0, $0xb8;
	[tilespmem:$0x18100] =	vst v63  }
0x87: {  	s12 =	sld [smem:$0x7FD]  }
0x88: {  	[tilespmem:s0], [sflag:$0x2] =	stream.indirect_vreg.gather [hbm4b:s4+s3], $0x80, v3, vm0, $0xb8;
	[tilespmem:$0x18100] =	vst v63  }
0x89: {  	_ = 	snop  }
0x8a: {  	[tilespmem:s12], [sflag:$0x2] =	stream.indirect_vreg.gather [hbm4b:s5+s3], $0x80, v3, vm0, $0xb8;
	[tilespmem:$0x18100] =	vst v63  }
0x8b: {  	s11 =	simm.s32 $0xF900  }
0x8c: {  	[tilespmem:s11], [sflag:$0x2] =	stream.indirect_vreg.gather [hbm4b:s6+s3], $0x80, v3, vm0, $0xb8;
	[tilespmem:$0x18100] =	vst v63  }
0x8d: {  	v3 =	vld [tilespmem:$0x90];
	_ =	sdelay $0x4  }
0x8e: {  	v62 =	vshll.u32 v3, $0x3  }
0x8f: {  	v3 =	vand.u32 $0x7, v3;
	v4 =	vand.u32 $0xFFFFFFC0, v62  }
0x90: {  	v3 =	vor.u32 v3, v4  }
0x91: {  	v4 =	vperm.xlane v3, v0;
	_ =	sdelay $0x1  }
0x92: {  	v4 =	vadd.s32 v1, v4;
	_ =	sdelay $0x3  }
0x93: {  	s12 =	simm.s32 $0x10100  }
0x94: {  	[tilespmem:s12], [sflag:$0x2] =	stream.indirect_vreg.gather [hbm4b:s2+s3], $0x80, v4, vm0, $0xb8;
	[tilespmem:$0x18100] =	vst v63  }
0x95: {  	v3 =	vperm.xlane v3, v2  }
0x96: {  	[tilespmem:s13], [sflag:$0x2] =	stream.indirect_vreg.gather [hbm4b:s4+s3], $0x80, v4, vm0, $0xb8;
	[tilespmem:$0x18100] =	vst v63  }
0x97: {  	v3 =	vadd.s32 v1, v3  }
0x98: {  	[tilespmem:s14], [sflag:$0x2] =	stream.indirect_vreg.gather [hbm4b:s5+s3], $0x80, v4, vm0, $0xb8;
	[tilespmem:$0x18100] =	vst v63  }
0x99: {  	_ = 	snop  }
0x9a: {  	[tilespmem:s15], [sflag:$0x2] =	stream.indirect_vreg.gather [hbm4b:s6+s3], $0x80, v4, vm0, $0xb8;
	[tilespmem:$0x18100] =	vst v63  }
0x9b: {  	_ = 	snop  }
0x9c: {  	[tilespmem:s16], [sflag:$0x2] =	stream.indirect_vreg.gather [hbm4b:s2+s3], $0x80, v3, vm0, $0xb8;
	[tilespmem:$0x18100] =	vst v63  }
0x9d: {  	_ = 	snop  }
0x9e: {  	[tilespmem:s17], [sflag:$0x2] =	stream.indirect_vreg.gather [hbm4b:s4+s3], $0x80, v3, vm0, $0xb8;
	[tilespmem:$0x18100] =	vst v63  }
0x9f: {  	_ = 	snop  }
0xa0: {  	[tilespmem:s18], [sflag:$0x2] =	stream.indirect_vreg.gather [hbm4b:s5+s3], $0x80, v3, vm0, $0xb8;
	[tilespmem:$0x18100] =	vst v63  }
0xa1: {  	_ = 	snop  }
0xa2: {  	[tilespmem:s19], [sflag:$0x2] =	stream.indirect_vreg.gather [hbm4b:s6+s3], $0x80, v3, vm0, $0xb8;
	[tilespmem:$0x18100] =	vst v63  }
0xa3: {  	v3 =	vld [tilespmem:$0xA0];
	_ =	sdelay $0x4  }
0xa4: {  	v63 =	vshll.u32 v3, $0x3  }
0xa5: {  	v3 =	vand.u32 $0x7, v3;
	v4 =	vand.u32 $0xFFFFFFC0, v63  }
0xa6: {  	v3 =	vor.u32 v3, v4  }
0xa7: {  	v4 =	vperm.xlane v3, v0;
	_ =	sdelay $0x1  }
0xa8: {  	v4 =	vadd.s32 v1, v4;
	_ =	sdelay $0x4  }
0xa9: {  	[tilespmem:s20], [sflag:$0x2] =	stream.indirect_vreg.gather [hbm4b:s2+s3], $0x80, v4, vm0, $0xb8;
	[tilespmem:$0x18100] =	vst v63  }
0xaa: {  	v3 =	vperm.xlane v3, v2  }
0xab: {  	[tilespmem:s21], [sflag:$0x2] =	stream.indirect_vreg.gather [hbm4b:s4+s3], $0x80, v4, vm0, $0xb8;
	[tilespmem:$0x18100] =	vst v63  }
0xac: {  	v3 =	vadd.s32 v1, v3  }
0xad: {  	[tilespmem:s22], [sflag:$0x2] =	stream.indirect_vreg.gather [hbm4b:s5+s3], $0x80, v4, vm0, $0xb8;
	[tilespmem:$0x18100] =	vst v63  }
0xae: {  	_ = 	snop  }
0xaf: {  	[tilespmem:s23], [sflag:$0x2] =	stream.indirect_vreg.gather [hbm4b:s6+s3], $0x80, v4, vm0, $0xb8;
	[tilespmem:$0x18100] =	vst v63  }
0xb0: {  	_ = 	snop  }
0xb1: {  	[tilespmem:s24], [sflag:$0x2] =	stream.indirect_vreg.gather [hbm4b:s2+s3], $0x80, v3, vm0, $0xb8;
	[tilespmem:$0x18100] =	vst v63  }
0xb2: {  	_ = 	snop  }
0xb3: {  	[tilespmem:s25], [sflag:$0x2] =	stream.indirect_vreg.gather [hbm4b:s4+s3], $0x80, v3, vm0, $0xb8;
	[tilespmem:$0x18100] =	vst v63  }
0xb4: {  	_ = 	snop  }
0xb5: {  	[tilespmem:s26], [sflag:$0x2] =	stream.indirect_vreg.gather [hbm4b:s5+s3], $0x80, v3, vm0, $0xb8;
	[tilespmem:$0x18100] =	vst v63  }
0xb6: {  	_ = 	snop  }
0xb7: {  	[tilespmem:s28], [sflag:$0x2] =	stream.indirect_vreg.gather [hbm4b:s6+s3], $0x80, v3, vm0, $0xb8;
	[tilespmem:$0x18100] =	vst v63  }
0xb8: {  	_ =	swait.ge [sflag:s29], $0xC000  }
0xb9: {  	[sflag:s29] =	ssyncset.done $0x0  }
0xba: {  	s11 =	rddreg [dreg:$0x5];
	[sflag:s29] =	ssyncadd.s32 $0xFFFF4000  }
0xbb: {  	[hbm4b:s11+s3] =	stream.linear.scatter [tilespmem:s9], [sflag:$0x3], $0xC000, $0x38;
	[tilespmem:$0x18100] =	vst v63  }
0xbc: {  	_ =	swait.ge [sflag:s30], $0xC000  }
0xbd: {  	[sflag:s30] =	ssyncset.done $0x0  }
0xbe: {  	s12 =	rddreg [dreg:$0x6];
	[sflag:s30] =	ssyncadd.s32 $0xFFFF4000  }
0xbf: {  	[hbm4b:s12+s3] =	stream.linear.scatter [tilespmem:s10], [sflag:$0x4], $0xC000, $0x38;
	[tilespmem:$0x18100] =	vst v63  }
0xc0: {  	p0 =	sne.s32 s7, $0x1;
	_ =	swait.ge [sflag:s31], $0xC000  }
.Ltmp0:
0xc1: {  	[sflag:s31] =	ssyncset.done $0x0;
	(pc) =	sbr.rel @p0 .LBB2_1-.Ltmp0, $4  }
0xc2: {  	[sflag:s31] =	ssyncadd.s32 $0xFFFF4000  }
0xc3: {  	_ =	swait.ge [sflag:s1], $0xC000  }
0xc4: {  	[sflag:s1] =	ssyncset.done $0x0  }
0xc5: {  	s7 =	sadd.s32 $0xFFFFFFFF, s7;
	[sflag:s1] =	ssyncadd.s32 $0xFFFF4000  }
0xc6: {  	_ =	sfence.sel $0x180000  }
0xc7: {  	[bflag:$0x0] =	sbarrier.arrive $0xFFFF  }
0xc8: {  	_ =	strace $0x9000004A  }
0xc9: {  	s0 =	stileid.u32;
	[bflag:$0x2] =	sbarrier.arrive $0xFFFF  }
0xca: {  	p0 =	sne.s32 s0, $0x0;
	s0 =	rddreg [dreg:$0x2]  }
0xcb: {  	s0 =	sadd.s32 @!p0 $0x100000, s0  }
0xcc: {  	[sflag:s0] =	ssyncadd.tile.s32 @!p0 $0x1;
	_ =	shalt  }
.Lfunc_end2:
_tile_overlayer_lowered:
.L_overlay_start_2:
0xcd: {  	(tag) =	ssettag $0x2  }
0xce: {  	s0 =	rddreg [dreg:$0x0];
	s2 =	stileid.u32  }
0xcf: {  	s1 =	rddreg [dreg:$0x1];
	p0 =	sne.s32 s2, $0x0  }
0xd0: {  	s3 =	rddreg [dreg:$0x2];
	[bflag:$0x3] =	sbarrier.arrive $0xFFFF;
	s2 =	simm.s32 @!p0 $0x1C05  }
0xd1: {  	[timem:s3], [sflag:s2] =	dma.local @!p0 [hbm:s0], s1  }
0xd2: {  	s0 =	simm.s32 @!p0 $0x5  }
0xd3: {  	_ =	swait.ge @!p0 [sflag:s0], s1  }
0xd4: {  	s1 =	ssub.s32 @!p0 $0x0, s1;
	[sflag:s0] =	ssyncset.done @!p0 $0x0  }
0xd5: {  	[sflag:s0] =	ssyncadd.s32 @!p0 s1  }
0xd6: {  	[bflag:$0x3] =	sbarrier.arrive $0xFFFF  }
0xd7: {  	_ =	shalt  }

</sc_bundles>
